<compile_context>
chip_gen: v7x
topology: tpu7x:2x2x1
jax: 0.10.2.dev20260603
libtpu: 0.0.44.dev20260713+nightly
codegen_flags: <defaults>
</compile_context>

<pallas_src>
import functools

import jax
import jax.numpy as jnp
from jax import lax
from jax.experimental import pallas as pl
from jax.experimental.pallas import tpu as pltpu
from jax.experimental.pallas import tpu_sc as plsc

_N_SLOTS = 100000
_D_STATE = 8
_NGRAM = 16
_N_BLADES = 8

_NC = 2
_NS = 16
_LANES = 16

_B = 16
_S = 4096
_BW_CHUNK = 256
_N_CHUNKS = _S // _BW_CHUNK
_HASH_UNROLL = 8
_GATHER_UNROLL = 16


def _sc_hash_gather(bw_t, bank_t):
    mesh = plsc.VectorSubcoreMesh(
        core_axis_name="c", subcore_axis_name="s",
        num_cores=_NC, num_subcores=_NS)

    @functools.partial(
        pl.kernel,
        compiler_params=pltpu.CompilerParams(
            needs_layout_passes=False, use_tc_tiling_on_sc=True,
            disable_bounds_checks=True),
        out_type=jax.ShapeDtypeStruct((_B, _N_BLADES, _D_STATE, _S),
                                      jnp.float32),
        mesh=mesh,
        scratch_types=[
            pltpu.VMEM((_N_SLOTS,), jnp.float32),
            pltpu.VMEM((_NGRAM, _BW_CHUNK), jnp.int32),
            pltpu.VMEM((_NGRAM, _BW_CHUNK), jnp.int32),
            pltpu.VMEM((_S,), jnp.int32),
            pltpu.VMEM((_S,), jnp.int32),
            pltpu.VMEM((_S,), jnp.float32),
            pltpu.VMEM((_S,), jnp.float32),
            pltpu.VMEM_SHARED((_B * _S,), jnp.int32),
            pltpu.SemaphoreType.DMA,
            pltpu.SemaphoreType.DMA,
            pltpu.SemaphoreType.DMA,
            pltpu.SemaphoreType.DMA,
            pltpu.SemaphoreType.DMA,
        ],
    )
    def k(bw_hbm, bank_hbm, out_hbm, table_v, bw_v0, bw_v1,
          addr_v0, addr_v1, ov0, ov1, addr_sh,
          sem_bw, sem_addr, sem_o0, sem_o1, sem_tbl):
        bw_b = (bw_v0, bw_v1)
        addr_b = (addr_v0, addr_v1)
        ov_b = (ov0, ov1)
        cid = lax.axis_index("c")
        sid = lax.axis_index("s")
        w = cid * _NS + sid

        def tbl_cp(t):
            p = w * 2 + t
            return pltpu.make_async_copy(
                bank_hbm.at[p // _D_STATE, p % _D_STATE, :], table_v,
                sem_tbl)


        def bw_cp(c, buf):
            return pltpu.make_async_copy(
                bw_hbm.at[sid, :, pl.ds(c * _BW_CHUNK, _BW_CHUNK)],
                bw_b[buf], sem_bw)

        def hash_chunk(c, buf):
            @plsc.parallel_loop(0, _BW_CHUNK // _LANES,
                                unroll=_HASH_UNROLL)
            def _(g):
                t0 = g * _LANES
                h = jnp.full((_LANES,), 2166136261, dtype=jnp.uint32)
                for i in range(_NGRAM):
                    byte = bw_b[buf][i, pl.ds(t0, _LANES)]
                    h = ((h ^ byte.astype(jnp.uint32))
                         * jnp.uint32(16777619))
                addr = (h % jnp.uint32(_N_SLOTS)).astype(jnp.int32)
                addr_v0[pl.ds(c * _BW_CHUNK + t0, _LANES)] = addr

        bw_cp(0, 0).start()
        bw_cp(1, 1).start()
        tbl_cp(0).start()

        def chunk_pair(j, carry):
            c0 = 2 * j
            bw_cp(c0, 0).wait()

            @pl.when(j + 1 < _N_CHUNKS // 2)
            def _():
                bw_cp(c0 + 2, 0).start()
            hash_chunk(c0, 0)
            bw_cp(c0 + 1, 1).wait()

            @pl.when(j + 1 < _N_CHUNKS // 2)
            def _():
                bw_cp(c0 + 3, 1).start()
            hash_chunk(c0 + 1, 1)
            return carry
        lax.fori_loop(0, _N_CHUNKS // 2, chunk_pair, 0)
        pltpu.sync_copy(addr_v0, addr_sh.at[pl.ds(sid * _S, _S)])
        plsc.subcore_barrier()

        for t in range(2):
            p = w * 2 + t
            blade = p // _D_STATE
            d = p % _D_STATE

            def addr_cp(b, buf):
                return pltpu.make_async_copy(
                    addr_sh.at[pl.ds(b * _S, _S)], addr_b[buf],
                    sem_addr)

            def out_cp(b, buf, blade=blade, d=d):
                return pltpu.make_async_copy(
                    ov_b[buf], out_hbm.at[b, blade, d, :],
                    sem_o0 if buf == 0 else sem_o1)

            def gather_row(buf):
                @plsc.parallel_loop(0, _S // _LANES,
                                    unroll=_GATHER_UNROLL)
                def _(g):
                    t0 = g * _LANES
                    idx = addr_b[buf][pl.ds(t0, _LANES)]
                    ov_b[buf][pl.ds(t0, _LANES)] = (
                        plsc.load_gather(table_v, [idx]))

            if t == 1:
                tbl_cp(1).start()
            addr_cp(0, 0).start()
            tbl_cp(t).wait()

            def row_pair(j, carry, t=t):
                b0 = 2 * j
                addr_cp(b0, 0).wait()
                addr_cp(b0 + 1, 1).start()

                @pl.when(j >= 1)
                def _():
                    out_cp(b0 - 2, 0).wait()
                gather_row(0)
                out_cp(b0, 0).start()
                addr_cp(b0 + 1, 1).wait()

                @pl.when(j + 1 < _B // 2)
                def _():
                    addr_cp(b0 + 2, 0).start()

                @pl.when(j >= 1)
                def _():
                    out_cp(b0 - 1, 1).wait()
                gather_row(1)
                out_cp(b0 + 1, 1).start()
                return carry
            lax.fori_loop(0, _B // 2, row_pair, 0)
            out_cp(_B - 2, 0).wait()
            out_cp(_B - 1, 1).wait()

    return k(bw_t, bank_t)


def kernel(byte_window, bank):
    bw_t = jnp.transpose(byte_window, (0, 2, 1))
    bank_t = jnp.transpose(bank, (0, 2, 1))
    out_t = _sc_hash_gather(bw_t, bank_t)
    return jnp.transpose(out_t, (0, 3, 1, 2))

# --- scband reference (transcript-rebuilt; emitter-appended) ---
"""Pipeline reference for scband-stacked-blade-bank-8186207666948 (READ-ONLY COPY).

The authoritative reference and input builder live on the scoring server;
editing this copy changes nothing except your own understanding.
"""

import jax, jax.numpy as jnp
import numpy as np

N_SLOTS = 100000
D_STATE = 8
NGRAM = 16
N_BLADES = 8


def setup_inputs(seed: int = 0) -> dict:
    key = jax.random.key(seed)
    k1, k2 = jax.random.split(key)
    byte_window = jax.random.randint(k1, (16, 4096, NGRAM), 0, 256, dtype=jnp.int32)
    # bank buffer materialized per init_kwargs (8, n_slots, d_state); use small random
    # values instead of zeros so the gather output is non-trivial.
    bank = jax.random.normal(k2, (N_BLADES, N_SLOTS, D_STATE), dtype=jnp.float32) * 0.02
    return {"byte_window": byte_window, "bank": bank}


def _compute_address(byte_window):
    # FNV-1a style hash; uint32 arithmetic wraps mod 2**32 exactly like the
    # torch code's explicit `% 2**32` after each multiply.
    bw = byte_window.astype(jnp.uint32)
    h = jnp.full(bw.shape[:-1], np.uint32(2166136261), dtype=jnp.uint32)
    prime = np.uint32(16777619)
    for i in range(NGRAM):
        h = (h ^ bw[..., i]) * prime
    return (h % np.uint32(N_SLOTS)).astype(jnp.int32)


def reference(byte_window, bank):
    # Faithful translation of StackedBladeBank.read_all_blades
    addr = _compute_address(byte_window)          # (B, S)
    B, S = addr.shape
    addr_flat = addr.reshape(-1)                  # (B*S,)
    results = jnp.take(bank, addr_flat, axis=1)   # (8, B*S, d_state)
    out = jnp.transpose(results, (1, 0, 2)).reshape(B, S, N_BLADES, D_STATE)
    return out

if __name__ == "__main__":
    import jax
    _d = setup_inputs()
    print(jax.jit(kernel)(*tuple(_d.values())))

</pallas_src>

<mosaic_0001>
#map = affine_map<(d0, d1) -> (0, 0, 0)>
#map1 = affine_map<(d0, d1) -> (0, 0, 0, 0)>
module attributes {stable_mosaic.version = 14 : i64} {
  func.func @k(%arg0: i32, %arg1: i32, %arg2: memref<16x16x4096xi32, #tpu.memory_space<hbm>>, %arg3: memref<8x8x100000xf32, #tpu.memory_space<hbm>>, %arg4: memref<16x8x8x4096xf32, #tpu.memory_space<hbm>>, %arg5: memref<100000xf32, #tpu.memory_space<vmem>>, %arg6: memref<16x256xi32, #tpu.memory_space<vmem>>, %arg7: memref<16x256xi32, #tpu.memory_space<vmem>>, %arg8: memref<4096xi32, #tpu.memory_space<vmem>>, %arg9: memref<4096xi32, #tpu.memory_space<vmem>>, %arg10: memref<4096xf32, #tpu.memory_space<vmem>>, %arg11: memref<4096xf32, #tpu.memory_space<vmem>>, %arg12: memref<65536xi32, #tpu.memory_space<vmem_shared>>, %arg13: memref<!tpu.dma_semaphore, #tpu.memory_space<semaphore_mem>>, %arg14: memref<!tpu.dma_semaphore, #tpu.memory_space<semaphore_mem>>, %arg15: memref<!tpu.dma_semaphore, #tpu.memory_space<semaphore_mem>>, %arg16: memref<!tpu.dma_semaphore, #tpu.memory_space<semaphore_mem>>, %arg17: memref<!tpu.dma_semaphore, #tpu.memory_space<semaphore_mem>>) attributes {dimension_semantics = [#tpu.dimension_semantics<core_parallel>, #tpu.dimension_semantics<subcore_parallel>], iteration_bounds = array<i64: 2, 16>, scalar_prefetch = 0 : i64, scratch_operands = 13 : i64, tpu.core_type = #tpu.core_type<sc_vector_subcore>, window_params = [{transform_indices = #map}, {transform_indices = #map}, {transform_indices = #map1}]} {
    %mul3A = arith.constant 16 : i32
    %mul3A_0 = arith.muli %arg0, %mul3A : i32
    %add3A = arith.addi %mul3A_0, %arg1 : i32
    %dma_start3A = arith.constant 0 : i32
    %dma_start3A_1 = arith.constant 0 : i32
    %dma_start3A_2 = tpu.memref_slice %arg2[%arg1, %dma_start3A, %dma_start3A_1] : memref<16x16x4096xi32, #tpu.memory_space<hbm>> -> memref<1x16x256xi32, #tpu.memory_space<hbm>>
    %dma_start3A_3 = tpu.memref_squeeze %dma_start3A_2 : memref<1x16x256xi32, #tpu.memory_space<hbm>> -> memref<16x256xi32, #tpu.memory_space<hbm>>
    %dma_start3A_4 = arith.constant 0 : i32
    %dma_start3A_5 = arith.constant 0 : i32
    %dma_start3A_6 = tpu.memref_slice %arg2[%arg1, %dma_start3A_4, %dma_start3A_5] : memref<16x16x4096xi32, #tpu.memory_space<hbm>> -> memref<1x16x256xi32, #tpu.memory_space<hbm>>
    %dma_start3A_7 = tpu.memref_squeeze %dma_start3A_6 : memref<1x16x256xi32, #tpu.memory_space<hbm>> -> memref<16x256xi32, #tpu.memory_space<hbm>>
    tpu.enqueue_dma source(%dma_start3A_7 : memref<16x256xi32, #tpu.memory_space<hbm>>) target(%arg6 : memref<16x256xi32, #tpu.memory_space<vmem>>) target_semaphore(%arg13 : memref<!tpu.dma_semaphore, #tpu.memory_space<semaphore_mem>>)
    %dma_start3A_8 = arith.constant 0 : i32
    %dma_start3A_9 = arith.constant 256 : i32
    %dma_start3A_10 = tpu.memref_slice %arg2[%arg1, %dma_start3A_8, %dma_start3A_9] : memref<16x16x4096xi32, #tpu.memory_space<hbm>> -> memref<1x16x256xi32, #tpu.memory_space<hbm>>
    %dma_start3A_11 = tpu.memref_squeeze %dma_start3A_10 : memref<1x16x256xi32, #tpu.memory_space<hbm>> -> memref<16x256xi32, #tpu.memory_space<hbm>>
    %dma_start3A_12 = arith.constant 0 : i32
    %dma_start3A_13 = arith.constant 256 : i32
    %dma_start3A_14 = tpu.memref_slice %arg2[%arg1, %dma_start3A_12, %dma_start3A_13] : memref<16x16x4096xi32, #tpu.memory_space<hbm>> -> memref<1x16x256xi32, #tpu.memory_space<hbm>>
    %dma_start3A_15 = tpu.memref_squeeze %dma_start3A_14 : memref<1x16x256xi32, #tpu.memory_space<hbm>> -> memref<16x256xi32, #tpu.memory_space<hbm>>
    tpu.enqueue_dma source(%dma_start3A_15 : memref<16x256xi32, #tpu.memory_space<hbm>>) target(%arg7 : memref<16x256xi32, #tpu.memory_space<vmem>>) target_semaphore(%arg13 : memref<!tpu.dma_semaphore, #tpu.memory_space<semaphore_mem>>)
    %mul3A_16 = arith.constant 2 : i32
    %mul3A_17 = arith.muli %add3A, %mul3A_16 : i32
    %add3A_18 = arith.constant 0 : i32
    %add3A_19 = arith.addi %mul3A_17, %add3A_18 : i32
    %jit3A = arith.constant 8 : i32
    %div3A = arith.divsi %add3A_19, %jit3A : i32
    %sign3A = arith.constant 0 : i32
    %sign3A_20 = arith.cmpi sgt, %add3A_19, %sign3A : i32
    %sign3A_21 = arith.extui %sign3A_20 : i1 to i32
    %sign3A_22 = arith.constant 0 : i32
    %sign3A_23 = arith.cmpi slt, %add3A_19, %sign3A_22 : i32
    %sign3A_24 = arith.extui %sign3A_23 : i1 to i32
    %sign3A_25 = arith.subi %sign3A_21, %sign3A_24 : i32
    %sign3A_26 = arith.constant 0 : i32
    %sign3A_27 = arith.cmpi sgt, %jit3A, %sign3A_26 : i32
    %sign3A_28 = arith.extui %sign3A_27 : i1 to i32
    %sign3A_29 = arith.constant 0 : i32
    %sign3A_30 = arith.cmpi slt, %jit3A, %sign3A_29 : i32
    %sign3A_31 = arith.extui %sign3A_30 : i1 to i32
    %sign3A_32 = arith.subi %sign3A_28, %sign3A_31 : i32
    %ne3A = arith.cmpi ne, %sign3A_25, %sign3A_32 : i32
    %rem3A = arith.remsi %add3A_19, %jit3A : i32
    %ne3A_33 = arith.constant 0 : i32
    %ne3A_34 = arith.cmpi ne, %rem3A, %ne3A_33 : i32
    %and3A = arith.andi %ne3A, %ne3A_34 : i1
    %sub3A = arith.constant 1 : i32
    %sub3A_35 = arith.subi %div3A, %sub3A : i32
    %select_n3A = arith.select %and3A, %sub3A_35, %div3A : i32
    %jit3A_36 = arith.constant 8 : i32
    %eq3A = arith.constant 0 : i32
    %eq3A_37 = arith.cmpi eq, %jit3A_36, %eq3A : i32
    %jit3A_38 = arith.constant 1 : i32
    %select_n3A_39 = arith.select %eq3A_37, %jit3A_38, %jit3A_36 : i32
    %rem3A_40 = arith.remsi %add3A_19, %select_n3A_39 : i32
    %ne3A_41 = arith.constant 0 : i32
    %ne3A_42 = arith.cmpi ne, %rem3A_40, %ne3A_41 : i32
    %lt3A = arith.constant 0 : i32
    %lt3A_43 = arith.cmpi slt, %rem3A_40, %lt3A : i32
    %lt3A_44 = arith.constant 0 : i32
    %lt3A_45 = arith.cmpi slt, %select_n3A_39, %lt3A_44 : i32
    %ne3A_46 = arith.xori %lt3A_43, %lt3A_45 : i1
    %and3A_47 = arith.andi %ne3A_46, %ne3A_42 : i1
    %add3A_48 = arith.addi %rem3A_40, %select_n3A_39 : i32
    %select_n3A_49 = arith.select %and3A_47, %add3A_48, %rem3A_40 : i32
    %dma_start3A_50 = arith.constant 0 : i32
    %dma_start3A_51 = tpu.memref_slice %arg3[%select_n3A, %select_n3A_49, %dma_start3A_50] : memref<8x8x100000xf32, #tpu.memory_space<hbm>> -> memref<1x1x100000xf32, #tpu.memory_space<hbm>>
    %dma_start3A_52 = tpu.memref_squeeze %dma_start3A_51 : memref<1x1x100000xf32, #tpu.memory_space<hbm>> -> memref<100000xf32, #tpu.memory_space<hbm>>
    %dma_start3A_53 = arith.constant 0 : i32
    %dma_start3A_54 = tpu.memref_slice %arg3[%select_n3A, %select_n3A_49, %dma_start3A_53] : memref<8x8x100000xf32, #tpu.memory_space<hbm>> -> memref<1x1x100000xf32, #tpu.memory_space<hbm>>
    %dma_start3A_55 = tpu.memref_squeeze %dma_start3A_54 : memref<1x1x100000xf32, #tpu.memory_space<hbm>> -> memref<100000xf32, #tpu.memory_space<hbm>>
    tpu.enqueue_dma source(%dma_start3A_55 : memref<100000xf32, #tpu.memory_space<hbm>>) target(%arg5 : memref<100000xf32, #tpu.memory_space<vmem>>) target_semaphore(%arg17 : memref<!tpu.dma_semaphore, #tpu.memory_space<semaphore_mem>>)
    %scan3A = arith.constant 0 : i32
    %scan3A_56 = arith.constant 0 : i32
    %scan3A_57 = arith.constant 8 : i32
    %scan3A_58 = arith.addi %scan3A_56, %scan3A_57 : i32
    %scan3A_59 = arith.constant 1 : i32
    scf.for %scan3A_348 = %scan3A_56 to %scan3A_58 step %scan3A_59  : i32 {
      %mul3A_349 = arith.constant 2 : i32
      %mul3A_350 = arith.muli %mul3A_349, %scan3A_348 : i32
      %mul3A_351 = arith.constant 256 : i32
      %mul3A_352 = arith.muli %mul3A_350, %mul3A_351 : i32
      %dma_wait3A_353 = arith.constant 0 : i32
      %dma_wait3A_354 = tpu.memref_slice %arg2[%arg1, %dma_wait3A_353, %mul3A_352] : memref<16x16x4096xi32, #tpu.memory_space<hbm>> -> memref<1x16x256xi32, #tpu.memory_space<hbm>>
      %dma_wait3A_355 = tpu.memref_squeeze %dma_wait3A_354 : memref<1x16x256xi32, #tpu.memory_space<hbm>> -> memref<16x256xi32, #tpu.memory_space<hbm>>
      %dma_wait3A_356 = arith.constant 0 : i32
      %dma_wait3A_357 = tpu.memref_slice %arg2[%arg1, %dma_wait3A_356, %mul3A_352] : memref<16x16x4096xi32, #tpu.memory_space<hbm>> -> memref<1x16x256xi32, #tpu.memory_space<hbm>>
      %dma_wait3A_358 = tpu.memref_squeeze %dma_wait3A_357 : memref<1x16x256xi32, #tpu.memory_space<hbm>> -> memref<16x256xi32, #tpu.memory_space<hbm>>
      tpu.wait_dma2 semaphore(%arg13 : memref<!tpu.dma_semaphore, #tpu.memory_space<semaphore_mem>>) src(%dma_wait3A_358 : memref<16x256xi32, #tpu.memory_space<hbm>>) dst(%arg6 : memref<16x256xi32, #tpu.memory_space<vmem>>)
      %add3A_359 = arith.constant 1 : i32
      %add3A_360 = arith.addi %scan3A_348, %add3A_359 : i32
      %lt3A_361 = arith.constant 8 : i32
      %lt3A_362 = arith.cmpi slt, %add3A_360, %lt3A_361 : i32
      %convert_element_type3A = arith.extui %lt3A_362 : i1 to i32
      %cond3A = arith.constant 0 : i32
      %cond3A_363 = arith.cmpi ne, %convert_element_type3A, %cond3A : i32
      scf.if %cond3A_363 {
        %add3A_388 = arith.constant 2 : i32
        %add3A_389 = arith.addi %mul3A_350, %add3A_388 : i32
        %mul3A_390 = arith.constant 256 : i32
        %mul3A_391 = arith.muli %add3A_389, %mul3A_390 : i32
        %dma_start3A_392 = arith.constant 0 : i32
        %dma_start3A_393 = tpu.memref_slice %arg2[%arg1, %dma_start3A_392, %mul3A_391] : memref<16x16x4096xi32, #tpu.memory_space<hbm>> -> memref<1x16x256xi32, #tpu.memory_space<hbm>>
        %dma_start3A_394 = tpu.memref_squeeze %dma_start3A_393 : memref<1x16x256xi32, #tpu.memory_space<hbm>> -> memref<16x256xi32, #tpu.memory_space<hbm>>
        %dma_start3A_395 = arith.constant 0 : i32
        %dma_start3A_396 = tpu.memref_slice %arg2[%arg1, %dma_start3A_395, %mul3A_391] : memref<16x16x4096xi32, #tpu.memory_space<hbm>> -> memref<1x16x256xi32, #tpu.memory_space<hbm>>
        %dma_start3A_397 = tpu.memref_squeeze %dma_start3A_396 : memref<1x16x256xi32, #tpu.memory_space<hbm>> -> memref<16x256xi32, #tpu.memory_space<hbm>>
        tpu.enqueue_dma source(%dma_start3A_397 : memref<16x256xi32, #tpu.memory_space<hbm>>) target(%arg6 : memref<16x256xi32, #tpu.memory_space<vmem>>) target_semaphore(%arg13 : memref<!tpu.dma_semaphore, #tpu.memory_space<semaphore_mem>>)
      } else {
      }
      %parallel_loop3A = arith.constant 0 : i32
      %parallel_loop3A_364 = arith.constant 16 : i32
      %parallel_loop3A_365 = arith.constant 1 : i32
      scf.for %parallel_loop3A_388 = %parallel_loop3A to %parallel_loop3A_364 step %parallel_loop3A_365  : i32 {
        %parallel_loop3A_389 = arith.constant 16 : i32
        %parallel_loop3A_390 = arith.muli %parallel_loop3A_388, %parallel_loop3A_389 : i32
        %parallel_loop3A_391 = arith.constant -2128831035 : i32
        %parallel_loop3A_392 = vector.broadcast %parallel_loop3A_391 : i32 to vector<16xi32>
        %parallel_loop3A_393 = arith.constant 0 : i32
        %parallel_loop3A_394 = arith.index_cast %parallel_loop3A_393 : i32 to index
        %parallel_loop3A_395 = arith.index_cast %parallel_loop3A_390 : i32 to index
        %parallel_loop3A_396 = tpu.vector_load %arg6[%parallel_loop3A_394, %parallel_loop3A_395] {strides = array<i32>} : memref<16x256xi32, #tpu.memory_space<vmem>>, vector<16xi32>,
        %parallel_loop3A_397 = arith.xori %parallel_loop3A_392, %parallel_loop3A_396 : vector<16xi32>
        %parallel_loop3A_398 = arith.constant 16777619 : i32
        %parallel_loop3A_399 = vector.broadcast %parallel_loop3A_398 : i32 to vector<16xi32>
        %parallel_loop3A_400 = arith.muli %parallel_loop3A_397, %parallel_loop3A_399 : vector<16xi32>
        %parallel_loop3A_401 = arith.constant 1 : i32
        %parallel_loop3A_402 = arith.index_cast %parallel_loop3A_401 : i32 to index
        %parallel_loop3A_403 = arith.index_cast %parallel_loop3A_390 : i32 to index
        %parallel_loop3A_404 = tpu.vector_load %arg6[%parallel_loop3A_402, %parallel_loop3A_403] {strides = array<i32>} : memref<16x256xi32, #tpu.memory_space<vmem>>, vector<16xi32>,
        %parallel_loop3A_405 = arith.xori %parallel_loop3A_400, %parallel_loop3A_404 : vector<16xi32>
        %parallel_loop3A_406 = arith.constant 16777619 : i32
        %parallel_loop3A_407 = vector.broadcast %parallel_loop3A_406 : i32 to vector<16xi32>
        %parallel_loop3A_408 = arith.muli %parallel_loop3A_405, %parallel_loop3A_407 : vector<16xi32>
        %parallel_loop3A_409 = arith.constant 2 : i32
        %parallel_loop3A_410 = arith.index_cast %parallel_loop3A_409 : i32 to index
        %parallel_loop3A_411 = arith.index_cast %parallel_loop3A_390 : i32 to index
        %parallel_loop3A_412 = tpu.vector_load %arg6[%parallel_loop3A_410, %parallel_loop3A_411] {strides = array<i32>} : memref<16x256xi32, #tpu.memory_space<vmem>>, vector<16xi32>,
        %parallel_loop3A_413 = arith.xori %parallel_loop3A_408, %parallel_loop3A_412 : vector<16xi32>
        %parallel_loop3A_414 = arith.constant 16777619 : i32
        %parallel_loop3A_415 = vector.broadcast %parallel_loop3A_414 : i32 to vector<16xi32>
        %parallel_loop3A_416 = arith.muli %parallel_loop3A_413, %parallel_loop3A_415 : vector<16xi32>
        %parallel_loop3A_417 = arith.constant 3 : i32
        %parallel_loop3A_418 = arith.index_cast %parallel_loop3A_417 : i32 to index
        %parallel_loop3A_419 = arith.index_cast %parallel_loop3A_390 : i32 to index
        %parallel_loop3A_420 = tpu.vector_load %arg6[%parallel_loop3A_418, %parallel_loop3A_419] {strides = array<i32>} : memref<16x256xi32, #tpu.memory_space<vmem>>, vector<16xi32>,
        %parallel_loop3A_421 = arith.xori %parallel_loop3A_416, %parallel_loop3A_420 : vector<16xi32>
        %parallel_loop3A_422 = arith.constant 16777619 : i32
        %parallel_loop3A_423 = vector.broadcast %parallel_loop3A_422 : i32 to vector<16xi32>
        %parallel_loop3A_424 = arith.muli %parallel_loop3A_421, %parallel_loop3A_423 : vector<16xi32>
        %parallel_loop3A_425 = arith.constant 4 : i32
        %parallel_loop3A_426 = arith.index_cast %parallel_loop3A_425 : i32 to index
        %parallel_loop3A_427 = arith.index_cast %parallel_loop3A_390 : i32 to index
        %parallel_loop3A_428 = tpu.vector_load %arg6[%parallel_loop3A_426, %parallel_loop3A_427] {strides = array<i32>} : memref<16x256xi32, #tpu.memory_space<vmem>>, vector<16xi32>,
        %parallel_loop3A_429 = arith.xori %parallel_loop3A_424, %parallel_loop3A_428 : vector<16xi32>
        %parallel_loop3A_430 = arith.constant 16777619 : i32
        %parallel_loop3A_431 = vector.broadcast %parallel_loop3A_430 : i32 to vector<16xi32>
        %parallel_loop3A_432 = arith.muli %parallel_loop3A_429, %parallel_loop3A_431 : vector<16xi32>
        %parallel_loop3A_433 = arith.constant 5 : i32
        %parallel_loop3A_434 = arith.index_cast %parallel_loop3A_433 : i32 to index
        %parallel_loop3A_435 = arith.index_cast %parallel_loop3A_390 : i32 to index
        %parallel_loop3A_436 = tpu.vector_load %arg6[%parallel_loop3A_434, %parallel_loop3A_435] {strides = array<i32>} : memref<16x256xi32, #tpu.memory_space<vmem>>, vector<16xi32>,
        %parallel_loop3A_437 = arith.xori %parallel_loop3A_432, %parallel_loop3A_436 : vector<16xi32>
        %parallel_loop3A_438 = arith.constant 16777619 : i32
        %parallel_loop3A_439 = vector.broadcast %parallel_loop3A_438 : i32 to vector<16xi32>
        %parallel_loop3A_440 = arith.muli %parallel_loop3A_437, %parallel_loop3A_439 : vector<16xi32>
        %parallel_loop3A_441 = arith.constant 6 : i32
        %parallel_loop3A_442 = arith.index_cast %parallel_loop3A_441 : i32 to index
        %parallel_loop3A_443 = arith.index_cast %parallel_loop3A_390 : i32 to index
        %parallel_loop3A_444 = tpu.vector_load %arg6[%parallel_loop3A_442, %parallel_loop3A_443] {strides = array<i32>} : memref<16x256xi32, #tpu.memory_space<vmem>>, vector<16xi32>,
        %parallel_loop3A_445 = arith.xori %parallel_loop3A_440, %parallel_loop3A_444 : vector<16xi32>
        %parallel_loop3A_446 = arith.constant 16777619 : i32
        %parallel_loop3A_447 = vector.broadcast %parallel_loop3A_446 : i32 to vector<16xi32>
        %parallel_loop3A_448 = arith.muli %parallel_loop3A_445, %parallel_loop3A_447 : vector<16xi32>
        %parallel_loop3A_449 = arith.constant 7 : i32
        %parallel_loop3A_450 = arith.index_cast %parallel_loop3A_449 : i32 to index
        %parallel_loop3A_451 = arith.index_cast %parallel_loop3A_390 : i32 to index
        %parallel_loop3A_452 = tpu.vector_load %arg6[%parallel_loop3A_450, %parallel_loop3A_451] {strides = array<i32>} : memref<16x256xi32, #tpu.memory_space<vmem>>, vector<16xi32>,
        %parallel_loop3A_453 = arith.xori %parallel_loop3A_448, %parallel_loop3A_452 : vector<16xi32>
        %parallel_loop3A_454 = arith.constant 16777619 : i32
        %parallel_loop3A_455 = vector.broadcast %parallel_loop3A_454 : i32 to vector<16xi32>
        %parallel_loop3A_456 = arith.muli %parallel_loop3A_453, %parallel_loop3A_455 : vector<16xi32>
        %parallel_loop3A_457 = arith.constant 8 : i32
        %parallel_loop3A_458 = arith.index_cast %parallel_loop3A_457 : i32 to index
        %parallel_loop3A_459 = arith.index_cast %parallel_loop3A_390 : i32 to index
        %parallel_loop3A_460 = tpu.vector_load %arg6[%parallel_loop3A_458, %parallel_loop3A_459] {strides = array<i32>} : memref<16x256xi32, #tpu.memory_space<vmem>>, vector<16xi32>,
        %parallel_loop3A_461 = arith.xori %parallel_loop3A_456, %parallel_loop3A_460 : vector<16xi32>
        %parallel_loop3A_462 = arith.constant 16777619 : i32
        %parallel_loop3A_463 = vector.broadcast %parallel_loop3A_462 : i32 to vector<16xi32>
        %parallel_loop3A_464 = arith.muli %parallel_loop3A_461, %parallel_loop3A_463 : vector<16xi32>
        %parallel_loop3A_465 = arith.constant 9 : i32
        %parallel_loop3A_466 = arith.index_cast %parallel_loop3A_465 : i32 to index
        %parallel_loop3A_467 = arith.index_cast %parallel_loop3A_390 : i32 to index
        %parallel_loop3A_468 = tpu.vector_load %arg6[%parallel_loop3A_466, %parallel_loop3A_467] {strides = array<i32>} : memref<16x256xi32, #tpu.memory_space<vmem>>, vector<16xi32>,
        %parallel_loop3A_469 = arith.xori %parallel_loop3A_464, %parallel_loop3A_468 : vector<16xi32>
        %parallel_loop3A_470 = arith.constant 16777619 : i32
        %parallel_loop3A_471 = vector.broadcast %parallel_loop3A_470 : i32 to vector<16xi32>
        %parallel_loop3A_472 = arith.muli %parallel_loop3A_469, %parallel_loop3A_471 : vector<16xi32>
        %parallel_loop3A_473 = arith.constant 10 : i32
        %parallel_loop3A_474 = arith.index_cast %parallel_loop3A_473 : i32 to index
        %parallel_loop3A_475 = arith.index_cast %parallel_loop3A_390 : i32 to index
        %parallel_loop3A_476 = tpu.vector_load %arg6[%parallel_loop3A_474, %parallel_loop3A_475] {strides = array<i32>} : memref<16x256xi32, #tpu.memory_space<vmem>>, vector<16xi32>,
        %parallel_loop3A_477 = arith.xori %parallel_loop3A_472, %parallel_loop3A_476 : vector<16xi32>
        %parallel_loop3A_478 = arith.constant 16777619 : i32
        %parallel_loop3A_479 = vector.broadcast %parallel_loop3A_478 : i32 to vector<16xi32>
        %parallel_loop3A_480 = arith.muli %parallel_loop3A_477, %parallel_loop3A_479 : vector<16xi32>
        %parallel_loop3A_481 = arith.constant 11 : i32
        %parallel_loop3A_482 = arith.index_cast %parallel_loop3A_481 : i32 to index
        %parallel_loop3A_483 = arith.index_cast %parallel_loop3A_390 : i32 to index
        %parallel_loop3A_484 = tpu.vector_load %arg6[%parallel_loop3A_482, %parallel_loop3A_483] {strides = array<i32>} : memref<16x256xi32, #tpu.memory_space<vmem>>, vector<16xi32>,
        %parallel_loop3A_485 = arith.xori %parallel_loop3A_480, %parallel_loop3A_484 : vector<16xi32>
        %parallel_loop3A_486 = arith.constant 16777619 : i32
        %parallel_loop3A_487 = vector.broadcast %parallel_loop3A_486 : i32 to vector<16xi32>
        %parallel_loop3A_488 = arith.muli %parallel_loop3A_485, %parallel_loop3A_487 : vector<16xi32>
        %parallel_loop3A_489 = arith.constant 12 : i32
        %parallel_loop3A_490 = arith.index_cast %parallel_loop3A_489 : i32 to index
        %parallel_loop3A_491 = arith.index_cast %parallel_loop3A_390 : i32 to index
        %parallel_loop3A_492 = tpu.vector_load %arg6[%parallel_loop3A_490, %parallel_loop3A_491] {strides = array<i32>} : memref<16x256xi32, #tpu.memory_space<vmem>>, vector<16xi32>,
        %parallel_loop3A_493 = arith.xori %parallel_loop3A_488, %parallel_loop3A_492 : vector<16xi32>
        %parallel_loop3A_494 = arith.constant 16777619 : i32
        %parallel_loop3A_495 = vector.broadcast %parallel_loop3A_494 : i32 to vector<16xi32>
        %parallel_loop3A_496 = arith.muli %parallel_loop3A_493, %parallel_loop3A_495 : vector<16xi32>
        %parallel_loop3A_497 = arith.constant 13 : i32
        %parallel_loop3A_498 = arith.index_cast %parallel_loop3A_497 : i32 to index
        %parallel_loop3A_499 = arith.index_cast %parallel_loop3A_390 : i32 to index
        %parallel_loop3A_500 = tpu.vector_load %arg6[%parallel_loop3A_498, %parallel_loop3A_499] {strides = array<i32>} : memref<16x256xi32, #tpu.memory_space<vmem>>, vector<16xi32>,
        %parallel_loop3A_501 = arith.xori %parallel_loop3A_496, %parallel_loop3A_500 : vector<16xi32>
        %parallel_loop3A_502 = arith.constant 16777619 : i32
        %parallel_loop3A_503 = vector.broadcast %parallel_loop3A_502 : i32 to vector<16xi32>
        %parallel_loop3A_504 = arith.muli %parallel_loop3A_501, %parallel_loop3A_503 : vector<16xi32>
        %parallel_loop3A_505 = arith.constant 14 : i32
        %parallel_loop3A_506 = arith.index_cast %parallel_loop3A_505 : i32 to index
        %parallel_loop3A_507 = arith.index_cast %parallel_loop3A_390 : i32 to index
        %parallel_loop3A_508 = tpu.vector_load %arg6[%parallel_loop3A_506, %parallel_loop3A_507] {strides = array<i32>} : memref<16x256xi32, #tpu.memory_space<vmem>>, vector<16xi32>,
        %parallel_loop3A_509 = arith.xori %parallel_loop3A_504, %parallel_loop3A_508 : vector<16xi32>
        %parallel_loop3A_510 = arith.constant 16777619 : i32
        %parallel_loop3A_511 = vector.broadcast %parallel_loop3A_510 : i32 to vector<16xi32>
        %parallel_loop3A_512 = arith.muli %parallel_loop3A_509, %parallel_loop3A_511 : vector<16xi32>
        %parallel_loop3A_513 = arith.constant 15 : i32
        %parallel_loop3A_514 = arith.index_cast %parallel_loop3A_513 : i32 to index
        %parallel_loop3A_515 = arith.index_cast %parallel_loop3A_390 : i32 to index
        %parallel_loop3A_516 = tpu.vector_load %arg6[%parallel_loop3A_514, %parallel_loop3A_515] {strides = array<i32>} : memref<16x256xi32, #tpu.memory_space<vmem>>, vector<16xi32>,
        %parallel_loop3A_517 = arith.xori %parallel_loop3A_512, %parallel_loop3A_516 : vector<16xi32>
        %parallel_loop3A_518 = arith.constant 16777619 : i32
        %parallel_loop3A_519 = vector.broadcast %parallel_loop3A_518 : i32 to vector<16xi32>
        %parallel_loop3A_520 = arith.muli %parallel_loop3A_517, %parallel_loop3A_519 : vector<16xi32>
        %parallel_loop3A_521 = arith.constant 100000 : i32
        %parallel_loop3A_522 = arith.constant 0 : i32
        %parallel_loop3A_523 = arith.cmpi eq, %parallel_loop3A_521, %parallel_loop3A_522 : i32
        %parallel_loop3A_524 = arith.constant 1 : i32
        %parallel_loop3A_525 = arith.select %parallel_loop3A_523, %parallel_loop3A_524, %parallel_loop3A_521 : i32
        %parallel_loop3A_526 = vector.broadcast %parallel_loop3A_525 : i32 to vector<16xi32>
        %parallel_loop3A_527 = arith.remui %parallel_loop3A_520, %parallel_loop3A_526 : vector<16xi32>
        %parallel_loop3A_528 = arith.constant 0 : i32
        %parallel_loop3A_529 = vector.broadcast %parallel_loop3A_528 : i32 to vector<16xi32>
        %parallel_loop3A_530 = arith.cmpi ne, %parallel_loop3A_527, %parallel_loop3A_529 : vector<16xi32>
        %parallel_loop3A_531 = arith.constant 0 : i32
        %parallel_loop3A_532 = vector.broadcast %parallel_loop3A_531 : i32 to vector<16xi32>
        %parallel_loop3A_533 = arith.cmpi ult, %parallel_loop3A_527, %parallel_loop3A_532 : vector<16xi32>
        %parallel_loop3A_534 = arith.constant 0 : i32
        %parallel_loop3A_535 = arith.cmpi ult, %parallel_loop3A_525, %parallel_loop3A_534 : i32
        %parallel_loop3A_536 = vector.broadcast %parallel_loop3A_535 : i1 to vector<16xi1>
        %parallel_loop3A_537 = vector.broadcast %parallel_loop3A_536 : vector<16xi1> to vector<16xi1>
        %parallel_loop3A_538 = arith.xori %parallel_loop3A_533, %parallel_loop3A_537 : vector<16xi1>
        %parallel_loop3A_539 = arith.andi %parallel_loop3A_538, %parallel_loop3A_530 : vector<16xi1>
        %parallel_loop3A_540 = vector.broadcast %parallel_loop3A_525 : i32 to vector<16xi32>
        %parallel_loop3A_541 = arith.addi %parallel_loop3A_527, %parallel_loop3A_540 : vector<16xi32>
        %parallel_loop3A_542 = arith.select %parallel_loop3A_539, %parallel_loop3A_541, %parallel_loop3A_527 : vector<16xi1>, vector<16xi32>
        %parallel_loop3A_543 = arith.constant 256 : i32
        %parallel_loop3A_544 = arith.muli %mul3A_350, %parallel_loop3A_543 : i32
        %parallel_loop3A_545 = arith.addi %parallel_loop3A_544, %parallel_loop3A_390 : i32
        %parallel_loop3A_546 = arith.index_cast %parallel_loop3A_545 : i32 to index
        %parallel_loop3A_547 = tpu.vector_load %arg8[%parallel_loop3A_546] {strides = array<i32>} : memref<4096xi32, #tpu.memory_space<vmem>>, vector<16xi32>,
        tpu.vector_store %arg8[%parallel_loop3A_546], %parallel_loop3A_542 {strides = array<i32>} : memref<4096xi32, #tpu.memory_space<vmem>>, vector<16xi32>,
      } {sc.loop_unroll_factor = 8 : i64, sc.parallel_access}
      %add3A_366 = arith.constant 1 : i32
      %add3A_367 = arith.addi %mul3A_350, %add3A_366 : i32
      %mul3A_368 = arith.constant 256 : i32
      %mul3A_369 = arith.muli %add3A_367, %mul3A_368 : i32
      %dma_wait3A_370 = arith.constant 0 : i32
      %dma_wait3A_371 = tpu.memref_slice %arg2[%arg1, %dma_wait3A_370, %mul3A_369] : memref<16x16x4096xi32, #tpu.memory_space<hbm>> -> memref<1x16x256xi32, #tpu.memory_space<hbm>>
      %dma_wait3A_372 = tpu.memref_squeeze %dma_wait3A_371 : memref<1x16x256xi32, #tpu.memory_space<hbm>> -> memref<16x256xi32, #tpu.memory_space<hbm>>
      %dma_wait3A_373 = arith.constant 0 : i32
      %dma_wait3A_374 = tpu.memref_slice %arg2[%arg1, %dma_wait3A_373, %mul3A_369] : memref<16x16x4096xi32, #tpu.memory_space<hbm>> -> memref<1x16x256xi32, #tpu.memory_space<hbm>>
      %dma_wait3A_375 = tpu.memref_squeeze %dma_wait3A_374 : memref<1x16x256xi32, #tpu.memory_space<hbm>> -> memref<16x256xi32, #tpu.memory_space<hbm>>
      tpu.wait_dma2 semaphore(%arg13 : memref<!tpu.dma_semaphore, #tpu.memory_space<semaphore_mem>>) src(%dma_wait3A_375 : memref<16x256xi32, #tpu.memory_space<hbm>>) dst(%arg7 : memref<16x256xi32, #tpu.memory_space<vmem>>)
      %add3A_376 = arith.constant 1 : i32
      %add3A_377 = arith.addi %scan3A_348, %add3A_376 : i32
      %lt3A_378 = arith.constant 8 : i32
      %lt3A_379 = arith.cmpi slt, %add3A_377, %lt3A_378 : i32
      %convert_element_type3A_380 = arith.extui %lt3A_379 : i1 to i32
      %cond3A_381 = arith.constant 0 : i32
      %cond3A_382 = arith.cmpi ne, %convert_element_type3A_380, %cond3A_381 : i32
      scf.if %cond3A_382 {
        %add3A_388 = arith.constant 3 : i32
        %add3A_389 = arith.addi %mul3A_350, %add3A_388 : i32
        %mul3A_390 = arith.constant 256 : i32
        %mul3A_391 = arith.muli %add3A_389, %mul3A_390 : i32
        %dma_start3A_392 = arith.constant 0 : i32
        %dma_start3A_393 = tpu.memref_slice %arg2[%arg1, %dma_start3A_392, %mul3A_391] : memref<16x16x4096xi32, #tpu.memory_space<hbm>> -> memref<1x16x256xi32, #tpu.memory_space<hbm>>
        %dma_start3A_394 = tpu.memref_squeeze %dma_start3A_393 : memref<1x16x256xi32, #tpu.memory_space<hbm>> -> memref<16x256xi32, #tpu.memory_space<hbm>>
        %dma_start3A_395 = arith.constant 0 : i32
        %dma_start3A_396 = tpu.memref_slice %arg2[%arg1, %dma_start3A_395, %mul3A_391] : memref<16x16x4096xi32, #tpu.memory_space<hbm>> -> memref<1x16x256xi32, #tpu.memory_space<hbm>>
        %dma_start3A_397 = tpu.memref_squeeze %dma_start3A_396 : memref<1x16x256xi32, #tpu.memory_space<hbm>> -> memref<16x256xi32, #tpu.memory_space<hbm>>
        tpu.enqueue_dma source(%dma_start3A_397 : memref<16x256xi32, #tpu.memory_space<hbm>>) target(%arg7 : memref<16x256xi32, #tpu.memory_space<vmem>>) target_semaphore(%arg13 : memref<!tpu.dma_semaphore, #tpu.memory_space<semaphore_mem>>)
      } else {
      }
      %add3A_383 = arith.constant 1 : i32
      %add3A_384 = arith.addi %mul3A_350, %add3A_383 : i32
      %parallel_loop3A_385 = arith.constant 0 : i32
      %parallel_loop3A_386 = arith.constant 16 : i32
      %parallel_loop3A_387 = arith.constant 1 : i32
      scf.for %parallel_loop3A_388 = %parallel_loop3A_385 to %parallel_loop3A_386 step %parallel_loop3A_387  : i32 {
        %parallel_loop3A_389 = arith.constant 16 : i32
        %parallel_loop3A_390 = arith.muli %parallel_loop3A_388, %parallel_loop3A_389 : i32
        %parallel_loop3A_391 = arith.constant -2128831035 : i32
        %parallel_loop3A_392 = vector.broadcast %parallel_loop3A_391 : i32 to vector<16xi32>
        %parallel_loop3A_393 = arith.constant 0 : i32
        %parallel_loop3A_394 = arith.index_cast %parallel_loop3A_393 : i32 to index
        %parallel_loop3A_395 = arith.index_cast %parallel_loop3A_390 : i32 to index
        %parallel_loop3A_396 = tpu.vector_load %arg7[%parallel_loop3A_394, %parallel_loop3A_395] {strides = array<i32>} : memref<16x256xi32, #tpu.memory_space<vmem>>, vector<16xi32>,
        %parallel_loop3A_397 = arith.xori %parallel_loop3A_392, %parallel_loop3A_396 : vector<16xi32>
        %parallel_loop3A_398 = arith.constant 16777619 : i32
        %parallel_loop3A_399 = vector.broadcast %parallel_loop3A_398 : i32 to vector<16xi32>
        %parallel_loop3A_400 = arith.muli %parallel_loop3A_397, %parallel_loop3A_399 : vector<16xi32>
        %parallel_loop3A_401 = arith.constant 1 : i32
        %parallel_loop3A_402 = arith.index_cast %parallel_loop3A_401 : i32 to index
        %parallel_loop3A_403 = arith.index_cast %parallel_loop3A_390 : i32 to index
        %parallel_loop3A_404 = tpu.vector_load %arg7[%parallel_loop3A_402, %parallel_loop3A_403] {strides = array<i32>} : memref<16x256xi32, #tpu.memory_space<vmem>>, vector<16xi32>,
        %parallel_loop3A_405 = arith.xori %parallel_loop3A_400, %parallel_loop3A_404 : vector<16xi32>
        %parallel_loop3A_406 = arith.constant 16777619 : i32
        %parallel_loop3A_407 = vector.broadcast %parallel_loop3A_406 : i32 to vector<16xi32>
        %parallel_loop3A_408 = arith.muli %parallel_loop3A_405, %parallel_loop3A_407 : vector<16xi32>
        %parallel_loop3A_409 = arith.constant 2 : i32
        %parallel_loop3A_410 = arith.index_cast %parallel_loop3A_409 : i32 to index
        %parallel_loop3A_411 = arith.index_cast %parallel_loop3A_390 : i32 to index
        %parallel_loop3A_412 = tpu.vector_load %arg7[%parallel_loop3A_410, %parallel_loop3A_411] {strides = array<i32>} : memref<16x256xi32, #tpu.memory_space<vmem>>, vector<16xi32>,
        %parallel_loop3A_413 = arith.xori %parallel_loop3A_408, %parallel_loop3A_412 : vector<16xi32>
        %parallel_loop3A_414 = arith.constant 16777619 : i32
        %parallel_loop3A_415 = vector.broadcast %parallel_loop3A_414 : i32 to vector<16xi32>
        %parallel_loop3A_416 = arith.muli %parallel_loop3A_413, %parallel_loop3A_415 : vector<16xi32>
        %parallel_loop3A_417 = arith.constant 3 : i32
        %parallel_loop3A_418 = arith.index_cast %parallel_loop3A_417 : i32 to index
        %parallel_loop3A_419 = arith.index_cast %parallel_loop3A_390 : i32 to index
        %parallel_loop3A_420 = tpu.vector_load %arg7[%parallel_loop3A_418, %parallel_loop3A_419] {strides = array<i32>} : memref<16x256xi32, #tpu.memory_space<vmem>>, vector<16xi32>,
        %parallel_loop3A_421 = arith.xori %parallel_loop3A_416, %parallel_loop3A_420 : vector<16xi32>
        %parallel_loop3A_422 = arith.constant 16777619 : i32
        %parallel_loop3A_423 = vector.broadcast %parallel_loop3A_422 : i32 to vector<16xi32>
        %parallel_loop3A_424 = arith.muli %parallel_loop3A_421, %parallel_loop3A_423 : vector<16xi32>
        %parallel_loop3A_425 = arith.constant 4 : i32
        %parallel_loop3A_426 = arith.index_cast %parallel_loop3A_425 : i32 to index
        %parallel_loop3A_427 = arith.index_cast %parallel_loop3A_390 : i32 to index
        %parallel_loop3A_428 = tpu.vector_load %arg7[%parallel_loop3A_426, %parallel_loop3A_427] {strides = array<i32>} : memref<16x256xi32, #tpu.memory_space<vmem>>, vector<16xi32>,
        %parallel_loop3A_429 = arith.xori %parallel_loop3A_424, %parallel_loop3A_428 : vector<16xi32>
        %parallel_loop3A_430 = arith.constant 16777619 : i32
        %parallel_loop3A_431 = vector.broadcast %parallel_loop3A_430 : i32 to vector<16xi32>
        %parallel_loop3A_432 = arith.muli %parallel_loop3A_429, %parallel_loop3A_431 : vector<16xi32>
        %parallel_loop3A_433 = arith.constant 5 : i32
        %parallel_loop3A_434 = arith.index_cast %parallel_loop3A_433 : i32 to index
        %parallel_loop3A_435 = arith.index_cast %parallel_loop3A_390 : i32 to index
        %parallel_loop3A_436 = tpu.vector_load %arg7[%parallel_loop3A_434, %parallel_loop3A_435] {strides = array<i32>} : memref<16x256xi32, #tpu.memory_space<vmem>>, vector<16xi32>,
        %parallel_loop3A_437 = arith.xori %parallel_loop3A_432, %parallel_loop3A_436 : vector<16xi32>
        %parallel_loop3A_438 = arith.constant 16777619 : i32
        %parallel_loop3A_439 = vector.broadcast %parallel_loop3A_438 : i32 to vector<16xi32>
        %parallel_loop3A_440 = arith.muli %parallel_loop3A_437, %parallel_loop3A_439 : vector<16xi32>
        %parallel_loop3A_441 = arith.constant 6 : i32
        %parallel_loop3A_442 = arith.index_cast %parallel_loop3A_441 : i32 to index
        %parallel_loop3A_443 = arith.index_cast %parallel_loop3A_390 : i32 to index
        %parallel_loop3A_444 = tpu.vector_load %arg7[%parallel_loop3A_442, %parallel_loop3A_443] {strides = array<i32>} : memref<16x256xi32, #tpu.memory_space<vmem>>, vector<16xi32>,
        %parallel_loop3A_445 = arith.xori %parallel_loop3A_440, %parallel_loop3A_444 : vector<16xi32>
        %parallel_loop3A_446 = arith.constant 16777619 : i32
        %parallel_loop3A_447 = vector.broadcast %parallel_loop3A_446 : i32 to vector<16xi32>
        %parallel_loop3A_448 = arith.muli %parallel_loop3A_445, %parallel_loop3A_447 : vector<16xi32>
        %parallel_loop3A_449 = arith.constant 7 : i32
        %parallel_loop3A_450 = arith.index_cast %parallel_loop3A_449 : i32 to index
        %parallel_loop3A_451 = arith.index_cast %parallel_loop3A_390 : i32 to index
        %parallel_loop3A_452 = tpu.vector_load %arg7[%parallel_loop3A_450, %parallel_loop3A_451] {strides = array<i32>} : memref<16x256xi32, #tpu.memory_space<vmem>>, vector<16xi32>,
        %parallel_loop3A_453 = arith.xori %parallel_loop3A_448, %parallel_loop3A_452 : vector<16xi32>
        %parallel_loop3A_454 = arith.constant 16777619 : i32
        %parallel_loop3A_455 = vector.broadcast %parallel_loop3A_454 : i32 to vector<16xi32>
        %parallel_loop3A_456 = arith.muli %parallel_loop3A_453, %parallel_loop3A_455 : vector<16xi32>
        %parallel_loop3A_457 = arith.constant 8 : i32
        %parallel_loop3A_458 = arith.index_cast %parallel_loop3A_457 : i32 to index
        %parallel_loop3A_459 = arith.index_cast %parallel_loop3A_390 : i32 to index
        %parallel_loop3A_460 = tpu.vector_load %arg7[%parallel_loop3A_458, %parallel_loop3A_459] {strides = array<i32>} : memref<16x256xi32, #tpu.memory_space<vmem>>, vector<16xi32>,
        %parallel_loop3A_461 = arith.xori %parallel_loop3A_456, %parallel_loop3A_460 : vector<16xi32>
        %parallel_loop3A_462 = arith.constant 16777619 : i32
        %parallel_loop3A_463 = vector.broadcast %parallel_loop3A_462 : i32 to vector<16xi32>
        %parallel_loop3A_464 = arith.muli %parallel_loop3A_461, %parallel_loop3A_463 : vector<16xi32>
        %parallel_loop3A_465 = arith.constant 9 : i32
        %parallel_loop3A_466 = arith.index_cast %parallel_loop3A_465 : i32 to index
        %parallel_loop3A_467 = arith.index_cast %parallel_loop3A_390 : i32 to index
        %parallel_loop3A_468 = tpu.vector_load %arg7[%parallel_loop3A_466, %parallel_loop3A_467] {strides = array<i32>} : memref<16x256xi32, #tpu.memory_space<vmem>>, vector<16xi32>,
        %parallel_loop3A_469 = arith.xori %parallel_loop3A_464, %parallel_loop3A_468 : vector<16xi32>
        %parallel_loop3A_470 = arith.constant 16777619 : i32
        %parallel_loop3A_471 = vector.broadcast %parallel_loop3A_470 : i32 to vector<16xi32>
        %parallel_loop3A_472 = arith.muli %parallel_loop3A_469, %parallel_loop3A_471 : vector<16xi32>
        %parallel_loop3A_473 = arith.constant 10 : i32
        %parallel_loop3A_474 = arith.index_cast %parallel_loop3A_473 : i32 to index
        %parallel_loop3A_475 = arith.index_cast %parallel_loop3A_390 : i32 to index
        %parallel_loop3A_476 = tpu.vector_load %arg7[%parallel_loop3A_474, %parallel_loop3A_475] {strides = array<i32>} : memref<16x256xi32, #tpu.memory_space<vmem>>, vector<16xi32>,
        %parallel_loop3A_477 = arith.xori %parallel_loop3A_472, %parallel_loop3A_476 : vector<16xi32>
        %parallel_loop3A_478 = arith.constant 16777619 : i32
        %parallel_loop3A_479 = vector.broadcast %parallel_loop3A_478 : i32 to vector<16xi32>
        %parallel_loop3A_480 = arith.muli %parallel_loop3A_477, %parallel_loop3A_479 : vector<16xi32>
        %parallel_loop3A_481 = arith.constant 11 : i32
        %parallel_loop3A_482 = arith.index_cast %parallel_loop3A_481 : i32 to index
        %parallel_loop3A_483 = arith.index_cast %parallel_loop3A_390 : i32 to index
        %parallel_loop3A_484 = tpu.vector_load %arg7[%parallel_loop3A_482, %parallel_loop3A_483] {strides = array<i32>} : memref<16x256xi32, #tpu.memory_space<vmem>>, vector<16xi32>,
        %parallel_loop3A_485 = arith.xori %parallel_loop3A_480, %parallel_loop3A_484 : vector<16xi32>
        %parallel_loop3A_486 = arith.constant 16777619 : i32
        %parallel_loop3A_487 = vector.broadcast %parallel_loop3A_486 : i32 to vector<16xi32>
        %parallel_loop3A_488 = arith.muli %parallel_loop3A_485, %parallel_loop3A_487 : vector<16xi32>
        %parallel_loop3A_489 = arith.constant 12 : i32
        %parallel_loop3A_490 = arith.index_cast %parallel_loop3A_489 : i32 to index
        %parallel_loop3A_491 = arith.index_cast %parallel_loop3A_390 : i32 to index
        %parallel_loop3A_492 = tpu.vector_load %arg7[%parallel_loop3A_490, %parallel_loop3A_491] {strides = array<i32>} : memref<16x256xi32, #tpu.memory_space<vmem>>, vector<16xi32>,
        %parallel_loop3A_493 = arith.xori %parallel_loop3A_488, %parallel_loop3A_492 : vector<16xi32>
        %parallel_loop3A_494 = arith.constant 16777619 : i32
        %parallel_loop3A_495 = vector.broadcast %parallel_loop3A_494 : i32 to vector<16xi32>
        %parallel_loop3A_496 = arith.muli %parallel_loop3A_493, %parallel_loop3A_495 : vector<16xi32>
        %parallel_loop3A_497 = arith.constant 13 : i32
        %parallel_loop3A_498 = arith.index_cast %parallel_loop3A_497 : i32 to index
        %parallel_loop3A_499 = arith.index_cast %parallel_loop3A_390 : i32 to index
        %parallel_loop3A_500 = tpu.vector_load %arg7[%parallel_loop3A_498, %parallel_loop3A_499] {strides = array<i32>} : memref<16x256xi32, #tpu.memory_space<vmem>>, vector<16xi32>,
        %parallel_loop3A_501 = arith.xori %parallel_loop3A_496, %parallel_loop3A_500 : vector<16xi32>
        %parallel_loop3A_502 = arith.constant 16777619 : i32
        %parallel_loop3A_503 = vector.broadcast %parallel_loop3A_502 : i32 to vector<16xi32>
        %parallel_loop3A_504 = arith.muli %parallel_loop3A_501, %parallel_loop3A_503 : vector<16xi32>
        %parallel_loop3A_505 = arith.constant 14 : i32
        %parallel_loop3A_506 = arith.index_cast %parallel_loop3A_505 : i32 to index
        %parallel_loop3A_507 = arith.index_cast %parallel_loop3A_390 : i32 to index
        %parallel_loop3A_508 = tpu.vector_load %arg7[%parallel_loop3A_506, %parallel_loop3A_507] {strides = array<i32>} : memref<16x256xi32, #tpu.memory_space<vmem>>, vector<16xi32>,
        %parallel_loop3A_509 = arith.xori %parallel_loop3A_504, %parallel_loop3A_508 : vector<16xi32>
        %parallel_loop3A_510 = arith.constant 16777619 : i32
        %parallel_loop3A_511 = vector.broadcast %parallel_loop3A_510 : i32 to vector<16xi32>
        %parallel_loop3A_512 = arith.muli %parallel_loop3A_509, %parallel_loop3A_511 : vector<16xi32>
        %parallel_loop3A_513 = arith.constant 15 : i32
        %parallel_loop3A_514 = arith.index_cast %parallel_loop3A_513 : i32 to index
        %parallel_loop3A_515 = arith.index_cast %parallel_loop3A_390 : i32 to index
        %parallel_loop3A_516 = tpu.vector_load %arg7[%parallel_loop3A_514, %parallel_loop3A_515] {strides = array<i32>} : memref<16x256xi32, #tpu.memory_space<vmem>>, vector<16xi32>,
        %parallel_loop3A_517 = arith.xori %parallel_loop3A_512, %parallel_loop3A_516 : vector<16xi32>
        %parallel_loop3A_518 = arith.constant 16777619 : i32
        %parallel_loop3A_519 = vector.broadcast %parallel_loop3A_518 : i32 to vector<16xi32>
        %parallel_loop3A_520 = arith.muli %parallel_loop3A_517, %parallel_loop3A_519 : vector<16xi32>
        %parallel_loop3A_521 = arith.constant 100000 : i32
        %parallel_loop3A_522 = arith.constant 0 : i32
        %parallel_loop3A_523 = arith.cmpi eq, %parallel_loop3A_521, %parallel_loop3A_522 : i32
        %parallel_loop3A_524 = arith.constant 1 : i32
        %parallel_loop3A_525 = arith.select %parallel_loop3A_523, %parallel_loop3A_524, %parallel_loop3A_521 : i32
        %parallel_loop3A_526 = vector.broadcast %parallel_loop3A_525 : i32 to vector<16xi32>
        %parallel_loop3A_527 = arith.remui %parallel_loop3A_520, %parallel_loop3A_526 : vector<16xi32>
        %parallel_loop3A_528 = arith.constant 0 : i32
        %parallel_loop3A_529 = vector.broadcast %parallel_loop3A_528 : i32 to vector<16xi32>
        %parallel_loop3A_530 = arith.cmpi ne, %parallel_loop3A_527, %parallel_loop3A_529 : vector<16xi32>
        %parallel_loop3A_531 = arith.constant 0 : i32
        %parallel_loop3A_532 = vector.broadcast %parallel_loop3A_531 : i32 to vector<16xi32>
        %parallel_loop3A_533 = arith.cmpi ult, %parallel_loop3A_527, %parallel_loop3A_532 : vector<16xi32>
        %parallel_loop3A_534 = arith.constant 0 : i32
        %parallel_loop3A_535 = arith.cmpi ult, %parallel_loop3A_525, %parallel_loop3A_534 : i32
        %parallel_loop3A_536 = vector.broadcast %parallel_loop3A_535 : i1 to vector<16xi1>
        %parallel_loop3A_537 = vector.broadcast %parallel_loop3A_536 : vector<16xi1> to vector<16xi1>
        %parallel_loop3A_538 = arith.xori %parallel_loop3A_533, %parallel_loop3A_537 : vector<16xi1>
        %parallel_loop3A_539 = arith.andi %parallel_loop3A_538, %parallel_loop3A_530 : vector<16xi1>
        %parallel_loop3A_540 = vector.broadcast %parallel_loop3A_525 : i32 to vector<16xi32>
        %parallel_loop3A_541 = arith.addi %parallel_loop3A_527, %parallel_loop3A_540 : vector<16xi32>
        %parallel_loop3A_542 = arith.select %parallel_loop3A_539, %parallel_loop3A_541, %parallel_loop3A_527 : vector<16xi1>, vector<16xi32>
        %parallel_loop3A_543 = arith.constant 256 : i32
        %parallel_loop3A_544 = arith.muli %add3A_384, %parallel_loop3A_543 : i32
        %parallel_loop3A_545 = arith.addi %parallel_loop3A_544, %parallel_loop3A_390 : i32
        %parallel_loop3A_546 = arith.index_cast %parallel_loop3A_545 : i32 to index
        %parallel_loop3A_547 = tpu.vector_load %arg8[%parallel_loop3A_546] {strides = array<i32>} : memref<4096xi32, #tpu.memory_space<vmem>>, vector<16xi32>,
        tpu.vector_store %arg8[%parallel_loop3A_546], %parallel_loop3A_542 {strides = array<i32>} : memref<4096xi32, #tpu.memory_space<vmem>>, vector<16xi32>,
      } {sc.loop_unroll_factor = 8 : i64, sc.parallel_access}
    }
    %scan3A_60 = arith.constant 8 : i32
    %mul3A_61 = arith.constant 4096 : i32
    %mul3A_62 = arith.muli %arg1, %mul3A_61 : i32
    "tpu.region"() ({
      %run_scoped3A = tpu.sem_alloc : memref<!tpu.dma_semaphore, #tpu.memory_space<semaphore_mem>>
      %dma_start3A_348 = tpu.memref_slice %arg12[%mul3A_62] : memref<65536xi32, #tpu.memory_space<vmem_shared>> -> memref<4096xi32, #tpu.memory_space<vmem_shared>>
      %dma_start3A_349 = tpu.memref_slice %arg12[%mul3A_62] : memref<65536xi32, #tpu.memory_space<vmem_shared>> -> memref<4096xi32, #tpu.memory_space<vmem_shared>>
      tpu.enqueue_dma source(%arg8 : memref<4096xi32, #tpu.memory_space<vmem>>) target(%dma_start3A_349 : memref<4096xi32, #tpu.memory_space<vmem_shared>>) target_semaphore(%run_scoped3A : memref<!tpu.dma_semaphore, #tpu.memory_space<semaphore_mem>>)
      %dma_wait3A_350 = tpu.memref_slice %arg12[%mul3A_62] : memref<65536xi32, #tpu.memory_space<vmem_shared>> -> memref<4096xi32, #tpu.memory_space<vmem_shared>>
      %dma_wait3A_351 = tpu.memref_slice %arg12[%mul3A_62] : memref<65536xi32, #tpu.memory_space<vmem_shared>> -> memref<4096xi32, #tpu.memory_space<vmem_shared>>
      tpu.wait_dma2 semaphore(%run_scoped3A : memref<!tpu.dma_semaphore, #tpu.memory_space<semaphore_mem>>) src(%arg8 : memref<4096xi32, #tpu.memory_space<vmem>>) dst(%dma_wait3A_351 : memref<4096xi32, #tpu.memory_space<vmem_shared>>)
      tpu.yield
    }) : () -> ()
    %barrier3A = arith.constant 0 : index
    tpu.barrier barrier_id(%barrier3A)
    %mul3A_63 = arith.constant 2 : i32
    %mul3A_64 = arith.muli %add3A, %mul3A_63 : i32
    %add3A_65 = arith.constant 0 : i32
    %add3A_66 = arith.addi %mul3A_64, %add3A_65 : i32
    %jit3A_67 = arith.constant 8 : i32
    %div3A_68 = arith.divsi %add3A_66, %jit3A_67 : i32
    %sign3A_69 = arith.constant 0 : i32
    %sign3A_70 = arith.cmpi sgt, %add3A_66, %sign3A_69 : i32
    %sign3A_71 = arith.extui %sign3A_70 : i1 to i32
    %sign3A_72 = arith.constant 0 : i32
    %sign3A_73 = arith.cmpi slt, %add3A_66, %sign3A_72 : i32
    %sign3A_74 = arith.extui %sign3A_73 : i1 to i32
    %sign3A_75 = arith.subi %sign3A_71, %sign3A_74 : i32
    %sign3A_76 = arith.constant 0 : i32
    %sign3A_77 = arith.cmpi sgt, %jit3A_67, %sign3A_76 : i32
    %sign3A_78 = arith.extui %sign3A_77 : i1 to i32
    %sign3A_79 = arith.constant 0 : i32
    %sign3A_80 = arith.cmpi slt, %jit3A_67, %sign3A_79 : i32
    %sign3A_81 = arith.extui %sign3A_80 : i1 to i32
    %sign3A_82 = arith.subi %sign3A_78, %sign3A_81 : i32
    %ne3A_83 = arith.cmpi ne, %sign3A_75, %sign3A_82 : i32
    %rem3A_84 = arith.remsi %add3A_66, %jit3A_67 : i32
    %ne3A_85 = arith.constant 0 : i32
    %ne3A_86 = arith.cmpi ne, %rem3A_84, %ne3A_85 : i32
    %and3A_87 = arith.andi %ne3A_83, %ne3A_86 : i1
    %sub3A_88 = arith.constant 1 : i32
    %sub3A_89 = arith.subi %div3A_68, %sub3A_88 : i32
    %select_n3A_90 = arith.select %and3A_87, %sub3A_89, %div3A_68 : i32
    %jit3A_91 = arith.constant 8 : i32
    %eq3A_92 = arith.constant 0 : i32
    %eq3A_93 = arith.cmpi eq, %jit3A_91, %eq3A_92 : i32
    %jit3A_94 = arith.constant 1 : i32
    %select_n3A_95 = arith.select %eq3A_93, %jit3A_94, %jit3A_91 : i32
    %rem3A_96 = arith.remsi %add3A_66, %select_n3A_95 : i32
    %ne3A_97 = arith.constant 0 : i32
    %ne3A_98 = arith.cmpi ne, %rem3A_96, %ne3A_97 : i32
    %lt3A_99 = arith.constant 0 : i32
    %lt3A_100 = arith.cmpi slt, %rem3A_96, %lt3A_99 : i32
    %lt3A_101 = arith.constant 0 : i32
    %lt3A_102 = arith.cmpi slt, %select_n3A_95, %lt3A_101 : i32
    %ne3A_103 = arith.xori %lt3A_100, %lt3A_102 : i1
    %and3A_104 = arith.andi %ne3A_103, %ne3A_98 : i1
    %add3A_105 = arith.addi %rem3A_96, %select_n3A_95 : i32
    %select_n3A_106 = arith.select %and3A_104, %add3A_105, %rem3A_96 : i32
    %dma_start3A_107 = arith.constant 0 : i32
    %dma_start3A_108 = tpu.memref_slice %arg12[%dma_start3A_107] : memref<65536xi32, #tpu.memory_space<vmem_shared>> -> memref<4096xi32, #tpu.memory_space<vmem_shared>>
    %dma_start3A_109 = arith.constant 0 : i32
    %dma_start3A_110 = tpu.memref_slice %arg12[%dma_start3A_109] : memref<65536xi32, #tpu.memory_space<vmem_shared>> -> memref<4096xi32, #tpu.memory_space<vmem_shared>>
    tpu.enqueue_dma source(%dma_start3A_110 : memref<4096xi32, #tpu.memory_space<vmem_shared>>) target(%arg8 : memref<4096xi32, #tpu.memory_space<vmem>>) target_semaphore(%arg14 : memref<!tpu.dma_semaphore, #tpu.memory_space<semaphore_mem>>)
    %mul3A_111 = arith.constant 2 : i32
    %mul3A_112 = arith.muli %add3A, %mul3A_111 : i32
    %add3A_113 = arith.constant 0 : i32
    %add3A_114 = arith.addi %mul3A_112, %add3A_113 : i32
    %jit3A_115 = arith.constant 8 : i32
    %div3A_116 = arith.divsi %add3A_114, %jit3A_115 : i32
    %sign3A_117 = arith.constant 0 : i32
    %sign3A_118 = arith.cmpi sgt, %add3A_114, %sign3A_117 : i32
    %sign3A_119 = arith.extui %sign3A_118 : i1 to i32
    %sign3A_120 = arith.constant 0 : i32
    %sign3A_121 = arith.cmpi slt, %add3A_114, %sign3A_120 : i32
    %sign3A_122 = arith.extui %sign3A_121 : i1 to i32
    %sign3A_123 = arith.subi %sign3A_119, %sign3A_122 : i32
    %sign3A_124 = arith.constant 0 : i32
    %sign3A_125 = arith.cmpi sgt, %jit3A_115, %sign3A_124 : i32
    %sign3A_126 = arith.extui %sign3A_125 : i1 to i32
    %sign3A_127 = arith.constant 0 : i32
    %sign3A_128 = arith.cmpi slt, %jit3A_115, %sign3A_127 : i32
    %sign3A_129 = arith.extui %sign3A_128 : i1 to i32
    %sign3A_130 = arith.subi %sign3A_126, %sign3A_129 : i32
    %ne3A_131 = arith.cmpi ne, %sign3A_123, %sign3A_130 : i32
    %rem3A_132 = arith.remsi %add3A_114, %jit3A_115 : i32
    %ne3A_133 = arith.constant 0 : i32
    %ne3A_134 = arith.cmpi ne, %rem3A_132, %ne3A_133 : i32
    %and3A_135 = arith.andi %ne3A_131, %ne3A_134 : i1
    %sub3A_136 = arith.constant 1 : i32
    %sub3A_137 = arith.subi %div3A_116, %sub3A_136 : i32
    %select_n3A_138 = arith.select %and3A_135, %sub3A_137, %div3A_116 : i32
    %jit3A_139 = arith.constant 8 : i32
    %eq3A_140 = arith.constant 0 : i32
    %eq3A_141 = arith.cmpi eq, %jit3A_139, %eq3A_140 : i32
    %jit3A_142 = arith.constant 1 : i32
    %select_n3A_143 = arith.select %eq3A_141, %jit3A_142, %jit3A_139 : i32
    %rem3A_144 = arith.remsi %add3A_114, %select_n3A_143 : i32
    %ne3A_145 = arith.constant 0 : i32
    %ne3A_146 = arith.cmpi ne, %rem3A_144, %ne3A_145 : i32
    %lt3A_147 = arith.constant 0 : i32
    %lt3A_148 = arith.cmpi slt, %rem3A_144, %lt3A_147 : i32
    %lt3A_149 = arith.constant 0 : i32
    %lt3A_150 = arith.cmpi slt, %select_n3A_143, %lt3A_149 : i32
    %ne3A_151 = arith.xori %lt3A_148, %lt3A_150 : i1
    %and3A_152 = arith.andi %ne3A_151, %ne3A_146 : i1
    %add3A_153 = arith.addi %rem3A_144, %select_n3A_143 : i32
    %select_n3A_154 = arith.select %and3A_152, %add3A_153, %rem3A_144 : i32
    %dma_wait3A = arith.constant 0 : i32
    %dma_wait3A_155 = tpu.memref_slice %arg3[%select_n3A_138, %select_n3A_154, %dma_wait3A] : memref<8x8x100000xf32, #tpu.memory_space<hbm>> -> memref<1x1x100000xf32, #tpu.memory_space<hbm>>
    %dma_wait3A_156 = tpu.memref_squeeze %dma_wait3A_155 : memref<1x1x100000xf32, #tpu.memory_space<hbm>> -> memref<100000xf32, #tpu.memory_space<hbm>>
    %dma_wait3A_157 = arith.constant 0 : i32
    %dma_wait3A_158 = tpu.memref_slice %arg3[%select_n3A_138, %select_n3A_154, %dma_wait3A_157] : memref<8x8x100000xf32, #tpu.memory_space<hbm>> -> memref<1x1x100000xf32, #tpu.memory_space<hbm>>
    %dma_wait3A_159 = tpu.memref_squeeze %dma_wait3A_158 : memref<1x1x100000xf32, #tpu.memory_space<hbm>> -> memref<100000xf32, #tpu.memory_space<hbm>>
    tpu.wait_dma2 semaphore(%arg17 : memref<!tpu.dma_semaphore, #tpu.memory_space<semaphore_mem>>) src(%dma_wait3A_159 : memref<100000xf32, #tpu.memory_space<hbm>>) dst(%arg5 : memref<100000xf32, #tpu.memory_space<vmem>>)
    %scan3A_160 = arith.constant 0 : i32
    %scan3A_161 = arith.constant 0 : i32
    %scan3A_162 = arith.constant 8 : i32
    %scan3A_163 = arith.addi %scan3A_161, %scan3A_162 : i32
    %scan3A_164 = arith.constant 1 : i32
    scf.for %scan3A_348 = %scan3A_161 to %scan3A_163 step %scan3A_164  : i32 {
      %mul3A_349 = arith.constant 2 : i32
      %mul3A_350 = arith.muli %mul3A_349, %scan3A_348 : i32
      %mul3A_351 = arith.constant 4096 : i32
      %mul3A_352 = arith.muli %mul3A_350, %mul3A_351 : i32
      %dma_wait3A_353 = tpu.memref_slice %arg12[%mul3A_352] : memref<65536xi32, #tpu.memory_space<vmem_shared>> -> memref<4096xi32, #tpu.memory_space<vmem_shared>>
      %dma_wait3A_354 = tpu.memref_slice %arg12[%mul3A_352] : memref<65536xi32, #tpu.memory_space<vmem_shared>> -> memref<4096xi32, #tpu.memory_space<vmem_shared>>
      tpu.wait_dma2 semaphore(%arg14 : memref<!tpu.dma_semaphore, #tpu.memory_space<semaphore_mem>>) src(%dma_wait3A_354 : memref<4096xi32, #tpu.memory_space<vmem_shared>>) dst(%arg8 : memref<4096xi32, #tpu.memory_space<vmem>>)
      %add3A_355 = arith.constant 1 : i32
      %add3A_356 = arith.addi %mul3A_350, %add3A_355 : i32
      %mul3A_357 = arith.constant 4096 : i32
      %mul3A_358 = arith.muli %add3A_356, %mul3A_357 : i32
      %dma_start3A_359 = tpu.memref_slice %arg12[%mul3A_358] : memref<65536xi32, #tpu.memory_space<vmem_shared>> -> memref<4096xi32, #tpu.memory_space<vmem_shared>>
      %dma_start3A_360 = tpu.memref_slice %arg12[%mul3A_358] : memref<65536xi32, #tpu.memory_space<vmem_shared>> -> memref<4096xi32, #tpu.memory_space<vmem_shared>>
      tpu.enqueue_dma source(%dma_start3A_360 : memref<4096xi32, #tpu.memory_space<vmem_shared>>) target(%arg9 : memref<4096xi32, #tpu.memory_space<vmem>>) target_semaphore(%arg14 : memref<!tpu.dma_semaphore, #tpu.memory_space<semaphore_mem>>)
      %ge3A = arith.constant 1 : i32
      %ge3A_361 = arith.cmpi sge, %scan3A_348, %ge3A : i32
      %convert_element_type3A = arith.extui %ge3A_361 : i1 to i32
      %cond3A = arith.constant 0 : i32
      %cond3A_362 = arith.cmpi ne, %convert_element_type3A, %cond3A : i32
      scf.if %cond3A_362 {
        %sub3A_400 = arith.constant 2 : i32
        %sub3A_401 = arith.subi %mul3A_350, %sub3A_400 : i32
        %dma_wait3A_402 = arith.constant 0 : i32
        %dma_wait3A_403 = tpu.memref_slice %arg4[%sub3A_401, %select_n3A_90, %select_n3A_106, %dma_wait3A_402] : memref<16x8x8x4096xf32, #tpu.memory_space<hbm>> -> memref<1x1x1x4096xf32, #tpu.memory_space<hbm>>
        %dma_wait3A_404 = tpu.memref_squeeze %dma_wait3A_403 : memref<1x1x1x4096xf32, #tpu.memory_space<hbm>> -> memref<4096xf32, #tpu.memory_space<hbm>>
        %dma_wait3A_405 = arith.constant 0 : i32
        %dma_wait3A_406 = tpu.memref_slice %arg4[%sub3A_401, %select_n3A_90, %select_n3A_106, %dma_wait3A_405] : memref<16x8x8x4096xf32, #tpu.memory_space<hbm>> -> memref<1x1x1x4096xf32, #tpu.memory_space<hbm>>
        %dma_wait3A_407 = tpu.memref_squeeze %dma_wait3A_406 : memref<1x1x1x4096xf32, #tpu.memory_space<hbm>> -> memref<4096xf32, #tpu.memory_space<hbm>>
        tpu.wait_dma2 semaphore(%arg15 : memref<!tpu.dma_semaphore, #tpu.memory_space<semaphore_mem>>) src(%arg10 : memref<4096xf32, #tpu.memory_space<vmem>>) dst(%dma_wait3A_407 : memref<4096xf32, #tpu.memory_space<hbm>>)
      } else {
      }
      %parallel_loop3A = arith.constant 0 : i32
      %parallel_loop3A_363 = arith.constant 256 : i32
      %parallel_loop3A_364 = arith.constant 1 : i32
      scf.for %parallel_loop3A_400 = %parallel_loop3A to %parallel_loop3A_363 step %parallel_loop3A_364  : i32 {
        %parallel_loop3A_401 = arith.constant 16 : i32
        %parallel_loop3A_402 = arith.muli %parallel_loop3A_400, %parallel_loop3A_401 : i32
        %parallel_loop3A_403 = arith.index_cast %parallel_loop3A_402 : i32 to index
        %parallel_loop3A_404 = tpu.vector_load %arg8[%parallel_loop3A_403] {strides = array<i32>} : memref<4096xi32, #tpu.memory_space<vmem>>, vector<16xi32>,
        %parallel_loop3A_405 = tpu.vector_load_idx %arg5[%parallel_loop3A_404] : memref<100000xf32, #tpu.memory_space<vmem>>[vector<16xi32>], vector<16xf32>,
        %parallel_loop3A_406 = arith.index_cast %parallel_loop3A_402 : i32 to index
        %parallel_loop3A_407 = tpu.vector_load %arg10[%parallel_loop3A_406] {strides = array<i32>} : memref<4096xf32, #tpu.memory_space<vmem>>, vector<16xf32>,
        tpu.vector_store %arg10[%parallel_loop3A_406], %parallel_loop3A_405 {strides = array<i32>} : memref<4096xf32, #tpu.memory_space<vmem>>, vector<16xf32>,
      } {sc.loop_unroll_factor = 16 : i64, sc.parallel_access}
      %dma_start3A_365 = arith.constant 0 : i32
      %dma_start3A_366 = tpu.memref_slice %arg4[%mul3A_350, %select_n3A_90, %select_n3A_106, %dma_start3A_365] : memref<16x8x8x4096xf32, #tpu.memory_space<hbm>> -> memref<1x1x1x4096xf32, #tpu.memory_space<hbm>>
      %dma_start3A_367 = tpu.memref_squeeze %dma_start3A_366 : memref<1x1x1x4096xf32, #tpu.memory_space<hbm>> -> memref<4096xf32, #tpu.memory_space<hbm>>
      %dma_start3A_368 = arith.constant 0 : i32
      %dma_start3A_369 = tpu.memref_slice %arg4[%mul3A_350, %select_n3A_90, %select_n3A_106, %dma_start3A_368] : memref<16x8x8x4096xf32, #tpu.memory_space<hbm>> -> memref<1x1x1x4096xf32, #tpu.memory_space<hbm>>
      %dma_start3A_370 = tpu.memref_squeeze %dma_start3A_369 : memref<1x1x1x4096xf32, #tpu.memory_space<hbm>> -> memref<4096xf32, #tpu.memory_space<hbm>>
      tpu.enqueue_dma source(%arg10 : memref<4096xf32, #tpu.memory_space<vmem>>) target(%dma_start3A_370 : memref<4096xf32, #tpu.memory_space<hbm>>) target_semaphore(%arg15 : memref<!tpu.dma_semaphore, #tpu.memory_space<semaphore_mem>>)
      %add3A_371 = arith.constant 1 : i32
      %add3A_372 = arith.addi %mul3A_350, %add3A_371 : i32
      %mul3A_373 = arith.constant 4096 : i32
      %mul3A_374 = arith.muli %add3A_372, %mul3A_373 : i32
      %dma_wait3A_375 = tpu.memref_slice %arg12[%mul3A_374] : memref<65536xi32, #tpu.memory_space<vmem_shared>> -> memref<4096xi32, #tpu.memory_space<vmem_shared>>
      %dma_wait3A_376 = tpu.memref_slice %arg12[%mul3A_374] : memref<65536xi32, #tpu.memory_space<vmem_shared>> -> memref<4096xi32, #tpu.memory_space<vmem_shared>>
      tpu.wait_dma2 semaphore(%arg14 : memref<!tpu.dma_semaphore, #tpu.memory_space<semaphore_mem>>) src(%dma_wait3A_376 : memref<4096xi32, #tpu.memory_space<vmem_shared>>) dst(%arg9 : memref<4096xi32, #tpu.memory_space<vmem>>)
      %add3A_377 = arith.constant 1 : i32
      %add3A_378 = arith.addi %scan3A_348, %add3A_377 : i32
      %lt3A_379 = arith.constant 8 : i32
      %lt3A_380 = arith.cmpi slt, %add3A_378, %lt3A_379 : i32
      %convert_element_type3A_381 = arith.extui %lt3A_380 : i1 to i32
      %cond3A_382 = arith.constant 0 : i32
      %cond3A_383 = arith.cmpi ne, %convert_element_type3A_381, %cond3A_382 : i32
      scf.if %cond3A_383 {
        %add3A_400 = arith.constant 2 : i32
        %add3A_401 = arith.addi %mul3A_350, %add3A_400 : i32
        %mul3A_402 = arith.constant 4096 : i32
        %mul3A_403 = arith.muli %add3A_401, %mul3A_402 : i32
        %dma_start3A_404 = tpu.memref_slice %arg12[%mul3A_403] : memref<65536xi32, #tpu.memory_space<vmem_shared>> -> memref<4096xi32, #tpu.memory_space<vmem_shared>>
        %dma_start3A_405 = tpu.memref_slice %arg12[%mul3A_403] : memref<65536xi32, #tpu.memory_space<vmem_shared>> -> memref<4096xi32, #tpu.memory_space<vmem_shared>>
        tpu.enqueue_dma source(%dma_start3A_405 : memref<4096xi32, #tpu.memory_space<vmem_shared>>) target(%arg8 : memref<4096xi32, #tpu.memory_space<vmem>>) target_semaphore(%arg14 : memref<!tpu.dma_semaphore, #tpu.memory_space<semaphore_mem>>)
      } else {
      }
      %ge3A_384 = arith.constant 1 : i32
      %ge3A_385 = arith.cmpi sge, %scan3A_348, %ge3A_384 : i32
      %convert_element_type3A_386 = arith.extui %ge3A_385 : i1 to i32
      %cond3A_387 = arith.constant 0 : i32
      %cond3A_388 = arith.cmpi ne, %convert_element_type3A_386, %cond3A_387 : i32
      scf.if %cond3A_388 {
        %sub3A_400 = arith.constant 1 : i32
        %sub3A_401 = arith.subi %mul3A_350, %sub3A_400 : i32
        %dma_wait3A_402 = arith.constant 0 : i32
        %dma_wait3A_403 = tpu.memref_slice %arg4[%sub3A_401, %select_n3A_90, %select_n3A_106, %dma_wait3A_402] : memref<16x8x8x4096xf32, #tpu.memory_space<hbm>> -> memref<1x1x1x4096xf32, #tpu.memory_space<hbm>>
        %dma_wait3A_404 = tpu.memref_squeeze %dma_wait3A_403 : memref<1x1x1x4096xf32, #tpu.memory_space<hbm>> -> memref<4096xf32, #tpu.memory_space<hbm>>
        %dma_wait3A_405 = arith.constant 0 : i32
        %dma_wait3A_406 = tpu.memref_slice %arg4[%sub3A_401, %select_n3A_90, %select_n3A_106, %dma_wait3A_405] : memref<16x8x8x4096xf32, #tpu.memory_space<hbm>> -> memref<1x1x1x4096xf32, #tpu.memory_space<hbm>>
        %dma_wait3A_407 = tpu.memref_squeeze %dma_wait3A_406 : memref<1x1x1x4096xf32, #tpu.memory_space<hbm>> -> memref<4096xf32, #tpu.memory_space<hbm>>
        tpu.wait_dma2 semaphore(%arg16 : memref<!tpu.dma_semaphore, #tpu.memory_space<semaphore_mem>>) src(%arg11 : memref<4096xf32, #tpu.memory_space<vmem>>) dst(%dma_wait3A_407 : memref<4096xf32, #tpu.memory_space<hbm>>)
      } else {
      }
      %parallel_loop3A_389 = arith.constant 0 : i32
      %parallel_loop3A_390 = arith.constant 256 : i32
      %parallel_loop3A_391 = arith.constant 1 : i32
      scf.for %parallel_loop3A_400 = %parallel_loop3A_389 to %parallel_loop3A_390 step %parallel_loop3A_391  : i32 {
        %parallel_loop3A_401 = arith.constant 16 : i32
        %parallel_loop3A_402 = arith.muli %parallel_loop3A_400, %parallel_loop3A_401 : i32
        %parallel_loop3A_403 = arith.index_cast %parallel_loop3A_402 : i32 to index
        %parallel_loop3A_404 = tpu.vector_load %arg9[%parallel_loop3A_403] {strides = array<i32>} : memref<4096xi32, #tpu.memory_space<vmem>>, vector<16xi32>,
        %parallel_loop3A_405 = tpu.vector_load_idx %arg5[%parallel_loop3A_404] : memref<100000xf32, #tpu.memory_space<vmem>>[vector<16xi32>], vector<16xf32>,
        %parallel_loop3A_406 = arith.index_cast %parallel_loop3A_402 : i32 to index
        %parallel_loop3A_407 = tpu.vector_load %arg11[%parallel_loop3A_406] {strides = array<i32>} : memref<4096xf32, #tpu.memory_space<vmem>>, vector<16xf32>,
        tpu.vector_store %arg11[%parallel_loop3A_406], %parallel_loop3A_405 {strides = array<i32>} : memref<4096xf32, #tpu.memory_space<vmem>>, vector<16xf32>,
      } {sc.loop_unroll_factor = 16 : i64, sc.parallel_access}
      %add3A_392 = arith.constant 1 : i32
      %add3A_393 = arith.addi %mul3A_350, %add3A_392 : i32
      %dma_start3A_394 = arith.constant 0 : i32
      %dma_start3A_395 = tpu.memref_slice %arg4[%add3A_393, %select_n3A_90, %select_n3A_106, %dma_start3A_394] : memref<16x8x8x4096xf32, #tpu.memory_space<hbm>> -> memref<1x1x1x4096xf32, #tpu.memory_space<hbm>>
      %dma_start3A_396 = tpu.memref_squeeze %dma_start3A_395 : memref<1x1x1x4096xf32, #tpu.memory_space<hbm>> -> memref<4096xf32, #tpu.memory_space<hbm>>
      %dma_start3A_397 = arith.constant 0 : i32
      %dma_start3A_398 = tpu.memref_slice %arg4[%add3A_393, %select_n3A_90, %select_n3A_106, %dma_start3A_397] : memref<16x8x8x4096xf32, #tpu.memory_space<hbm>> -> memref<1x1x1x4096xf32, #tpu.memory_space<hbm>>
      %dma_start3A_399 = tpu.memref_squeeze %dma_start3A_398 : memref<1x1x1x4096xf32, #tpu.memory_space<hbm>> -> memref<4096xf32, #tpu.memory_space<hbm>>
      tpu.enqueue_dma source(%arg11 : memref<4096xf32, #tpu.memory_space<vmem>>) target(%dma_start3A_399 : memref<4096xf32, #tpu.memory_space<hbm>>) target_semaphore(%arg16 : memref<!tpu.dma_semaphore, #tpu.memory_space<semaphore_mem>>)
    }
    %scan3A_165 = arith.constant 8 : i32
    %dma_wait3A_166 = arith.constant 14 : i32
    %dma_wait3A_167 = arith.constant 0 : i32
    %dma_wait3A_168 = tpu.memref_slice %arg4[%dma_wait3A_166, %select_n3A_90, %select_n3A_106, %dma_wait3A_167] : memref<16x8x8x4096xf32, #tpu.memory_space<hbm>> -> memref<1x1x1x4096xf32, #tpu.memory_space<hbm>>
    %dma_wait3A_169 = tpu.memref_squeeze %dma_wait3A_168 : memref<1x1x1x4096xf32, #tpu.memory_space<hbm>> -> memref<4096xf32, #tpu.memory_space<hbm>>
    %dma_wait3A_170 = arith.constant 0 : i32
    %dma_wait3A_171 = tpu.memref_slice %arg4[%dma_wait3A_166, %select_n3A_90, %select_n3A_106, %dma_wait3A_170] : memref<16x8x8x4096xf32, #tpu.memory_space<hbm>> -> memref<1x1x1x4096xf32, #tpu.memory_space<hbm>>
    %dma_wait3A_172 = tpu.memref_squeeze %dma_wait3A_171 : memref<1x1x1x4096xf32, #tpu.memory_space<hbm>> -> memref<4096xf32, #tpu.memory_space<hbm>>
    tpu.wait_dma2 semaphore(%arg15 : memref<!tpu.dma_semaphore, #tpu.memory_space<semaphore_mem>>) src(%arg10 : memref<4096xf32, #tpu.memory_space<vmem>>) dst(%dma_wait3A_172 : memref<4096xf32, #tpu.memory_space<hbm>>)
    %dma_wait3A_173 = arith.constant 15 : i32
    %dma_wait3A_174 = arith.constant 0 : i32
    %dma_wait3A_175 = tpu.memref_slice %arg4[%dma_wait3A_173, %select_n3A_90, %select_n3A_106, %dma_wait3A_174] : memref<16x8x8x4096xf32, #tpu.memory_space<hbm>> -> memref<1x1x1x4096xf32, #tpu.memory_space<hbm>>
    %dma_wait3A_176 = tpu.memref_squeeze %dma_wait3A_175 : memref<1x1x1x4096xf32, #tpu.memory_space<hbm>> -> memref<4096xf32, #tpu.memory_space<hbm>>
    %dma_wait3A_177 = arith.constant 0 : i32
    %dma_wait3A_178 = tpu.memref_slice %arg4[%dma_wait3A_173, %select_n3A_90, %select_n3A_106, %dma_wait3A_177] : memref<16x8x8x4096xf32, #tpu.memory_space<hbm>> -> memref<1x1x1x4096xf32, #tpu.memory_space<hbm>>
    %dma_wait3A_179 = tpu.memref_squeeze %dma_wait3A_178 : memref<1x1x1x4096xf32, #tpu.memory_space<hbm>> -> memref<4096xf32, #tpu.memory_space<hbm>>
    tpu.wait_dma2 semaphore(%arg16 : memref<!tpu.dma_semaphore, #tpu.memory_space<semaphore_mem>>) src(%arg11 : memref<4096xf32, #tpu.memory_space<vmem>>) dst(%dma_wait3A_179 : memref<4096xf32, #tpu.memory_space<hbm>>)
    %mul3A_180 = arith.constant 2 : i32
    %mul3A_181 = arith.muli %add3A, %mul3A_180 : i32
    %add3A_182 = arith.constant 1 : i32
    %add3A_183 = arith.addi %mul3A_181, %add3A_182 : i32
    %jit3A_184 = arith.constant 8 : i32
    %div3A_185 = arith.divsi %add3A_183, %jit3A_184 : i32
    %sign3A_186 = arith.constant 0 : i32
    %sign3A_187 = arith.cmpi sgt, %add3A_183, %sign3A_186 : i32
    %sign3A_188 = arith.extui %sign3A_187 : i1 to i32
    %sign3A_189 = arith.constant 0 : i32
    %sign3A_190 = arith.cmpi slt, %add3A_183, %sign3A_189 : i32
    %sign3A_191 = arith.extui %sign3A_190 : i1 to i32
    %sign3A_192 = arith.subi %sign3A_188, %sign3A_191 : i32
    %sign3A_193 = arith.constant 0 : i32
    %sign3A_194 = arith.cmpi sgt, %jit3A_184, %sign3A_193 : i32
    %sign3A_195 = arith.extui %sign3A_194 : i1 to i32
    %sign3A_196 = arith.constant 0 : i32
    %sign3A_197 = arith.cmpi slt, %jit3A_184, %sign3A_196 : i32
    %sign3A_198 = arith.extui %sign3A_197 : i1 to i32
    %sign3A_199 = arith.subi %sign3A_195, %sign3A_198 : i32
    %ne3A_200 = arith.cmpi ne, %sign3A_192, %sign3A_199 : i32
    %rem3A_201 = arith.remsi %add3A_183, %jit3A_184 : i32
    %ne3A_202 = arith.constant 0 : i32
    %ne3A_203 = arith.cmpi ne, %rem3A_201, %ne3A_202 : i32
    %and3A_204 = arith.andi %ne3A_200, %ne3A_203 : i1
    %sub3A_205 = arith.constant 1 : i32
    %sub3A_206 = arith.subi %div3A_185, %sub3A_205 : i32
    %select_n3A_207 = arith.select %and3A_204, %sub3A_206, %div3A_185 : i32
    %jit3A_208 = arith.constant 8 : i32
    %eq3A_209 = arith.constant 0 : i32
    %eq3A_210 = arith.cmpi eq, %jit3A_208, %eq3A_209 : i32
    %jit3A_211 = arith.constant 1 : i32
    %select_n3A_212 = arith.select %eq3A_210, %jit3A_211, %jit3A_208 : i32
    %rem3A_213 = arith.remsi %add3A_183, %select_n3A_212 : i32
    %ne3A_214 = arith.constant 0 : i32
    %ne3A_215 = arith.cmpi ne, %rem3A_213, %ne3A_214 : i32
    %lt3A_216 = arith.constant 0 : i32
    %lt3A_217 = arith.cmpi slt, %rem3A_213, %lt3A_216 : i32
    %lt3A_218 = arith.constant 0 : i32
    %lt3A_219 = arith.cmpi slt, %select_n3A_212, %lt3A_218 : i32
    %ne3A_220 = arith.xori %lt3A_217, %lt3A_219 : i1
    %and3A_221 = arith.andi %ne3A_220, %ne3A_215 : i1
    %add3A_222 = arith.addi %rem3A_213, %select_n3A_212 : i32
    %select_n3A_223 = arith.select %and3A_221, %add3A_222, %rem3A_213 : i32
    %mul3A_224 = arith.constant 2 : i32
    %mul3A_225 = arith.muli %add3A, %mul3A_224 : i32
    %add3A_226 = arith.constant 1 : i32
    %add3A_227 = arith.addi %mul3A_225, %add3A_226 : i32
    %jit3A_228 = arith.constant 8 : i32
    %div3A_229 = arith.divsi %add3A_227, %jit3A_228 : i32
    %sign3A_230 = arith.constant 0 : i32
    %sign3A_231 = arith.cmpi sgt, %add3A_227, %sign3A_230 : i32
    %sign3A_232 = arith.extui %sign3A_231 : i1 to i32
    %sign3A_233 = arith.constant 0 : i32
    %sign3A_234 = arith.cmpi slt, %add3A_227, %sign3A_233 : i32
    %sign3A_235 = arith.extui %sign3A_234 : i1 to i32
    %sign3A_236 = arith.subi %sign3A_232, %sign3A_235 : i32
    %sign3A_237 = arith.constant 0 : i32
    %sign3A_238 = arith.cmpi sgt, %jit3A_228, %sign3A_237 : i32
    %sign3A_239 = arith.extui %sign3A_238 : i1 to i32
    %sign3A_240 = arith.constant 0 : i32
    %sign3A_241 = arith.cmpi slt, %jit3A_228, %sign3A_240 : i32
    %sign3A_242 = arith.extui %sign3A_241 : i1 to i32
    %sign3A_243 = arith.subi %sign3A_239, %sign3A_242 : i32
    %ne3A_244 = arith.cmpi ne, %sign3A_236, %sign3A_243 : i32
    %rem3A_245 = arith.remsi %add3A_227, %jit3A_228 : i32
    %ne3A_246 = arith.constant 0 : i32
    %ne3A_247 = arith.cmpi ne, %rem3A_245, %ne3A_246 : i32
    %and3A_248 = arith.andi %ne3A_244, %ne3A_247 : i1
    %sub3A_249 = arith.constant 1 : i32
    %sub3A_250 = arith.subi %div3A_229, %sub3A_249 : i32
    %select_n3A_251 = arith.select %and3A_248, %sub3A_250, %div3A_229 : i32
    %jit3A_252 = arith.constant 8 : i32
    %eq3A_253 = arith.constant 0 : i32
    %eq3A_254 = arith.cmpi eq, %jit3A_252, %eq3A_253 : i32
    %jit3A_255 = arith.constant 1 : i32
    %select_n3A_256 = arith.select %eq3A_254, %jit3A_255, %jit3A_252 : i32
    %rem3A_257 = arith.remsi %add3A_227, %select_n3A_256 : i32
    %ne3A_258 = arith.constant 0 : i32
    %ne3A_259 = arith.cmpi ne, %rem3A_257, %ne3A_258 : i32
    %lt3A_260 = arith.constant 0 : i32
    %lt3A_261 = arith.cmpi slt, %rem3A_257, %lt3A_260 : i32
    %lt3A_262 = arith.constant 0 : i32
    %lt3A_263 = arith.cmpi slt, %select_n3A_256, %lt3A_262 : i32
    %ne3A_264 = arith.xori %lt3A_261, %lt3A_263 : i1
    %and3A_265 = arith.andi %ne3A_264, %ne3A_259 : i1
    %add3A_266 = arith.addi %rem3A_257, %select_n3A_256 : i32
    %select_n3A_267 = arith.select %and3A_265, %add3A_266, %rem3A_257 : i32
    %dma_start3A_268 = arith.constant 0 : i32
    %dma_start3A_269 = tpu.memref_slice %arg3[%select_n3A_251, %select_n3A_267, %dma_start3A_268] : memref<8x8x100000xf32, #tpu.memory_space<hbm>> -> memref<1x1x100000xf32, #tpu.memory_space<hbm>>
    %dma_start3A_270 = tpu.memref_squeeze %dma_start3A_269 : memref<1x1x100000xf32, #tpu.memory_space<hbm>> -> memref<100000xf32, #tpu.memory_space<hbm>>
    %dma_start3A_271 = arith.constant 0 : i32
    %dma_start3A_272 = tpu.memref_slice %arg3[%select_n3A_251, %select_n3A_267, %dma_start3A_271] : memref<8x8x100000xf32, #tpu.memory_space<hbm>> -> memref<1x1x100000xf32, #tpu.memory_space<hbm>>
    %dma_start3A_273 = tpu.memref_squeeze %dma_start3A_272 : memref<1x1x100000xf32, #tpu.memory_space<hbm>> -> memref<100000xf32, #tpu.memory_space<hbm>>
    tpu.enqueue_dma source(%dma_start3A_273 : memref<100000xf32, #tpu.memory_space<hbm>>) target(%arg5 : memref<100000xf32, #tpu.memory_space<vmem>>) target_semaphore(%arg17 : memref<!tpu.dma_semaphore, #tpu.memory_space<semaphore_mem>>)
    %dma_start3A_274 = arith.constant 0 : i32
    %dma_start3A_275 = tpu.memref_slice %arg12[%dma_start3A_274] : memref<65536xi32, #tpu.memory_space<vmem_shared>> -> memref<4096xi32, #tpu.memory_space<vmem_shared>>
    %dma_start3A_276 = arith.constant 0 : i32
    %dma_start3A_277 = tpu.memref_slice %arg12[%dma_start3A_276] : memref<65536xi32, #tpu.memory_space<vmem_shared>> -> memref<4096xi32, #tpu.memory_space<vmem_shared>>
    tpu.enqueue_dma source(%dma_start3A_277 : memref<4096xi32, #tpu.memory_space<vmem_shared>>) target(%arg8 : memref<4096xi32, #tpu.memory_space<vmem>>) target_semaphore(%arg14 : memref<!tpu.dma_semaphore, #tpu.memory_space<semaphore_mem>>)
    %mul3A_278 = arith.constant 2 : i32
    %mul3A_279 = arith.muli %add3A, %mul3A_278 : i32
    %add3A_280 = arith.constant 1 : i32
    %add3A_281 = arith.addi %mul3A_279, %add3A_280 : i32
    %jit3A_282 = arith.constant 8 : i32
    %div3A_283 = arith.divsi %add3A_281, %jit3A_282 : i32
    %sign3A_284 = arith.constant 0 : i32
    %sign3A_285 = arith.cmpi sgt, %add3A_281, %sign3A_284 : i32
    %sign3A_286 = arith.extui %sign3A_285 : i1 to i32
    %sign3A_287 = arith.constant 0 : i32
    %sign3A_288 = arith.cmpi slt, %add3A_281, %sign3A_287 : i32
    %sign3A_289 = arith.extui %sign3A_288 : i1 to i32
    %sign3A_290 = arith.subi %sign3A_286, %sign3A_289 : i32
    %sign3A_291 = arith.constant 0 : i32
    %sign3A_292 = arith.cmpi sgt, %jit3A_282, %sign3A_291 : i32
    %sign3A_293 = arith.extui %sign3A_292 : i1 to i32
    %sign3A_294 = arith.constant 0 : i32
    %sign3A_295 = arith.cmpi slt, %jit3A_282, %sign3A_294 : i32
    %sign3A_296 = arith.extui %sign3A_295 : i1 to i32
    %sign3A_297 = arith.subi %sign3A_293, %sign3A_296 : i32
    %ne3A_298 = arith.cmpi ne, %sign3A_290, %sign3A_297 : i32
    %rem3A_299 = arith.remsi %add3A_281, %jit3A_282 : i32
    %ne3A_300 = arith.constant 0 : i32
    %ne3A_301 = arith.cmpi ne, %rem3A_299, %ne3A_300 : i32
    %and3A_302 = arith.andi %ne3A_298, %ne3A_301 : i1
    %sub3A_303 = arith.constant 1 : i32
    %sub3A_304 = arith.subi %div3A_283, %sub3A_303 : i32
    %select_n3A_305 = arith.select %and3A_302, %sub3A_304, %div3A_283 : i32
    %jit3A_306 = arith.constant 8 : i32
    %eq3A_307 = arith.constant 0 : i32
    %eq3A_308 = arith.cmpi eq, %jit3A_306, %eq3A_307 : i32
    %jit3A_309 = arith.constant 1 : i32
    %select_n3A_310 = arith.select %eq3A_308, %jit3A_309, %jit3A_306 : i32
    %rem3A_311 = arith.remsi %add3A_281, %select_n3A_310 : i32
    %ne3A_312 = arith.constant 0 : i32
    %ne3A_313 = arith.cmpi ne, %rem3A_311, %ne3A_312 : i32
    %lt3A_314 = arith.constant 0 : i32
    %lt3A_315 = arith.cmpi slt, %rem3A_311, %lt3A_314 : i32
    %lt3A_316 = arith.constant 0 : i32
    %lt3A_317 = arith.cmpi slt, %select_n3A_310, %lt3A_316 : i32
    %ne3A_318 = arith.xori %lt3A_315, %lt3A_317 : i1
    %and3A_319 = arith.andi %ne3A_318, %ne3A_313 : i1
    %add3A_320 = arith.addi %rem3A_311, %select_n3A_310 : i32
    %select_n3A_321 = arith.select %and3A_319, %add3A_320, %rem3A_311 : i32
    %dma_wait3A_322 = arith.constant 0 : i32
    %dma_wait3A_323 = tpu.memref_slice %arg3[%select_n3A_305, %select_n3A_321, %dma_wait3A_322] : memref<8x8x100000xf32, #tpu.memory_space<hbm>> -> memref<1x1x100000xf32, #tpu.memory_space<hbm>>
    %dma_wait3A_324 = tpu.memref_squeeze %dma_wait3A_323 : memref<1x1x100000xf32, #tpu.memory_space<hbm>> -> memref<100000xf32, #tpu.memory_space<hbm>>
    %dma_wait3A_325 = arith.constant 0 : i32
    %dma_wait3A_326 = tpu.memref_slice %arg3[%select_n3A_305, %select_n3A_321, %dma_wait3A_325] : memref<8x8x100000xf32, #tpu.memory_space<hbm>> -> memref<1x1x100000xf32, #tpu.memory_space<hbm>>
    %dma_wait3A_327 = tpu.memref_squeeze %dma_wait3A_326 : memref<1x1x100000xf32, #tpu.memory_space<hbm>> -> memref<100000xf32, #tpu.memory_space<hbm>>
    tpu.wait_dma2 semaphore(%arg17 : memref<!tpu.dma_semaphore, #tpu.memory_space<semaphore_mem>>) src(%dma_wait3A_327 : memref<100000xf32, #tpu.memory_space<hbm>>) dst(%arg5 : memref<100000xf32, #tpu.memory_space<vmem>>)
    %scan3A_328 = arith.constant 0 : i32
    %scan3A_329 = arith.constant 0 : i32
    %scan3A_330 = arith.constant 8 : i32
    %scan3A_331 = arith.addi %scan3A_329, %scan3A_330 : i32
    %scan3A_332 = arith.constant 1 : i32
    scf.for %scan3A_348 = %scan3A_329 to %scan3A_331 step %scan3A_332  : i32 {
      %mul3A_349 = arith.constant 2 : i32
      %mul3A_350 = arith.muli %mul3A_349, %scan3A_348 : i32
      %mul3A_351 = arith.constant 4096 : i32
      %mul3A_352 = arith.muli %mul3A_350, %mul3A_351 : i32
      %dma_wait3A_353 = tpu.memref_slice %arg12[%mul3A_352] : memref<65536xi32, #tpu.memory_space<vmem_shared>> -> memref<4096xi32, #tpu.memory_space<vmem_shared>>
      %dma_wait3A_354 = tpu.memref_slice %arg12[%mul3A_352] : memref<65536xi32, #tpu.memory_space<vmem_shared>> -> memref<4096xi32, #tpu.memory_space<vmem_shared>>
      tpu.wait_dma2 semaphore(%arg14 : memref<!tpu.dma_semaphore, #tpu.memory_space<semaphore_mem>>) src(%dma_wait3A_354 : memref<4096xi32, #tpu.memory_space<vmem_shared>>) dst(%arg8 : memref<4096xi32, #tpu.memory_space<vmem>>)
      %add3A_355 = arith.constant 1 : i32
      %add3A_356 = arith.addi %mul3A_350, %add3A_355 : i32
      %mul3A_357 = arith.constant 4096 : i32
      %mul3A_358 = arith.muli %add3A_356, %mul3A_357 : i32
      %dma_start3A_359 = tpu.memref_slice %arg12[%mul3A_358] : memref<65536xi32, #tpu.memory_space<vmem_shared>> -> memref<4096xi32, #tpu.memory_space<vmem_shared>>
      %dma_start3A_360 = tpu.memref_slice %arg12[%mul3A_358] : memref<65536xi32, #tpu.memory_space<vmem_shared>> -> memref<4096xi32, #tpu.memory_space<vmem_shared>>
      tpu.enqueue_dma source(%dma_start3A_360 : memref<4096xi32, #tpu.memory_space<vmem_shared>>) target(%arg9 : memref<4096xi32, #tpu.memory_space<vmem>>) target_semaphore(%arg14 : memref<!tpu.dma_semaphore, #tpu.memory_space<semaphore_mem>>)
      %ge3A = arith.constant 1 : i32
      %ge3A_361 = arith.cmpi sge, %scan3A_348, %ge3A : i32
      %convert_element_type3A = arith.extui %ge3A_361 : i1 to i32
      %cond3A = arith.constant 0 : i32
      %cond3A_362 = arith.cmpi ne, %convert_element_type3A, %cond3A : i32
      scf.if %cond3A_362 {
        %sub3A_400 = arith.constant 2 : i32
        %sub3A_401 = arith.subi %mul3A_350, %sub3A_400 : i32
        %dma_wait3A_402 = arith.constant 0 : i32
        %dma_wait3A_403 = tpu.memref_slice %arg4[%sub3A_401, %select_n3A_207, %select_n3A_223, %dma_wait3A_402] : memref<16x8x8x4096xf32, #tpu.memory_space<hbm>> -> memref<1x1x1x4096xf32, #tpu.memory_space<hbm>>
        %dma_wait3A_404 = tpu.memref_squeeze %dma_wait3A_403 : memref<1x1x1x4096xf32, #tpu.memory_space<hbm>> -> memref<4096xf32, #tpu.memory_space<hbm>>
        %dma_wait3A_405 = arith.constant 0 : i32
        %dma_wait3A_406 = tpu.memref_slice %arg4[%sub3A_401, %select_n3A_207, %select_n3A_223, %dma_wait3A_405] : memref<16x8x8x4096xf32, #tpu.memory_space<hbm>> -> memref<1x1x1x4096xf32, #tpu.memory_space<hbm>>
        %dma_wait3A_407 = tpu.memref_squeeze %dma_wait3A_406 : memref<1x1x1x4096xf32, #tpu.memory_space<hbm>> -> memref<4096xf32, #tpu.memory_space<hbm>>
        tpu.wait_dma2 semaphore(%arg15 : memref<!tpu.dma_semaphore, #tpu.memory_space<semaphore_mem>>) src(%arg10 : memref<4096xf32, #tpu.memory_space<vmem>>) dst(%dma_wait3A_407 : memref<4096xf32, #tpu.memory_space<hbm>>)
      } else {
      }
      %parallel_loop3A = arith.constant 0 : i32
      %parallel_loop3A_363 = arith.constant 256 : i32
      %parallel_loop3A_364 = arith.constant 1 : i32
      scf.for %parallel_loop3A_400 = %parallel_loop3A to %parallel_loop3A_363 step %parallel_loop3A_364  : i32 {
        %parallel_loop3A_401 = arith.constant 16 : i32
        %parallel_loop3A_402 = arith.muli %parallel_loop3A_400, %parallel_loop3A_401 : i32
        %parallel_loop3A_403 = arith.index_cast %parallel_loop3A_402 : i32 to index
        %parallel_loop3A_404 = tpu.vector_load %arg8[%parallel_loop3A_403] {strides = array<i32>} : memref<4096xi32, #tpu.memory_space<vmem>>, vector<16xi32>,
        %parallel_loop3A_405 = tpu.vector_load_idx %arg5[%parallel_loop3A_404] : memref<100000xf32, #tpu.memory_space<vmem>>[vector<16xi32>], vector<16xf32>,
        %parallel_loop3A_406 = arith.index_cast %parallel_loop3A_402 : i32 to index
        %parallel_loop3A_407 = tpu.vector_load %arg10[%parallel_loop3A_406] {strides = array<i32>} : memref<4096xf32, #tpu.memory_space<vmem>>, vector<16xf32>,
        tpu.vector_store %arg10[%parallel_loop3A_406], %parallel_loop3A_405 {strides = array<i32>} : memref<4096xf32, #tpu.memory_space<vmem>>, vector<16xf32>,
      } {sc.loop_unroll_factor = 16 : i64, sc.parallel_access}
      %dma_start3A_365 = arith.constant 0 : i32
      %dma_start3A_366 = tpu.memref_slice %arg4[%mul3A_350, %select_n3A_207, %select_n3A_223, %dma_start3A_365] : memref<16x8x8x4096xf32, #tpu.memory_space<hbm>> -> memref<1x1x1x4096xf32, #tpu.memory_space<hbm>>
      %dma_start3A_367 = tpu.memref_squeeze %dma_start3A_366 : memref<1x1x1x4096xf32, #tpu.memory_space<hbm>> -> memref<4096xf32, #tpu.memory_space<hbm>>
      %dma_start3A_368 = arith.constant 0 : i32
      %dma_start3A_369 = tpu.memref_slice %arg4[%mul3A_350, %select_n3A_207, %select_n3A_223, %dma_start3A_368] : memref<16x8x8x4096xf32, #tpu.memory_space<hbm>> -> memref<1x1x1x4096xf32, #tpu.memory_space<hbm>>
      %dma_start3A_370 = tpu.memref_squeeze %dma_start3A_369 : memref<1x1x1x4096xf32, #tpu.memory_space<hbm>> -> memref<4096xf32, #tpu.memory_space<hbm>>
      tpu.enqueue_dma source(%arg10 : memref<4096xf32, #tpu.memory_space<vmem>>) target(%dma_start3A_370 : memref<4096xf32, #tpu.memory_space<hbm>>) target_semaphore(%arg15 : memref<!tpu.dma_semaphore, #tpu.memory_space<semaphore_mem>>)
      %add3A_371 = arith.constant 1 : i32
      %add3A_372 = arith.addi %mul3A_350, %add3A_371 : i32
      %mul3A_373 = arith.constant 4096 : i32
      %mul3A_374 = arith.muli %add3A_372, %mul3A_373 : i32
      %dma_wait3A_375 = tpu.memref_slice %arg12[%mul3A_374] : memref<65536xi32, #tpu.memory_space<vmem_shared>> -> memref<4096xi32, #tpu.memory_space<vmem_shared>>
      %dma_wait3A_376 = tpu.memref_slice %arg12[%mul3A_374] : memref<65536xi32, #tpu.memory_space<vmem_shared>> -> memref<4096xi32, #tpu.memory_space<vmem_shared>>
      tpu.wait_dma2 semaphore(%arg14 : memref<!tpu.dma_semaphore, #tpu.memory_space<semaphore_mem>>) src(%dma_wait3A_376 : memref<4096xi32, #tpu.memory_space<vmem_shared>>) dst(%arg9 : memref<4096xi32, #tpu.memory_space<vmem>>)
      %add3A_377 = arith.constant 1 : i32
      %add3A_378 = arith.addi %scan3A_348, %add3A_377 : i32
      %lt3A_379 = arith.constant 8 : i32
      %lt3A_380 = arith.cmpi slt, %add3A_378, %lt3A_379 : i32
      %convert_element_type3A_381 = arith.extui %lt3A_380 : i1 to i32
      %cond3A_382 = arith.constant 0 : i32
      %cond3A_383 = arith.cmpi ne, %convert_element_type3A_381, %cond3A_382 : i32
      scf.if %cond3A_383 {
        %add3A_400 = arith.constant 2 : i32
        %add3A_401 = arith.addi %mul3A_350, %add3A_400 : i32
        %mul3A_402 = arith.constant 4096 : i32
        %mul3A_403 = arith.muli %add3A_401, %mul3A_402 : i32
        %dma_start3A_404 = tpu.memref_slice %arg12[%mul3A_403] : memref<65536xi32, #tpu.memory_space<vmem_shared>> -> memref<4096xi32, #tpu.memory_space<vmem_shared>>
        %dma_start3A_405 = tpu.memref_slice %arg12[%mul3A_403] : memref<65536xi32, #tpu.memory_space<vmem_shared>> -> memref<4096xi32, #tpu.memory_space<vmem_shared>>
        tpu.enqueue_dma source(%dma_start3A_405 : memref<4096xi32, #tpu.memory_space<vmem_shared>>) target(%arg8 : memref<4096xi32, #tpu.memory_space<vmem>>) target_semaphore(%arg14 : memref<!tpu.dma_semaphore, #tpu.memory_space<semaphore_mem>>)
      } else {
      }
      %ge3A_384 = arith.constant 1 : i32
      %ge3A_385 = arith.cmpi sge, %scan3A_348, %ge3A_384 : i32
      %convert_element_type3A_386 = arith.extui %ge3A_385 : i1 to i32
      %cond3A_387 = arith.constant 0 : i32
      %cond3A_388 = arith.cmpi ne, %convert_element_type3A_386, %cond3A_387 : i32
      scf.if %cond3A_388 {
        %sub3A_400 = arith.constant 1 : i32
        %sub3A_401 = arith.subi %mul3A_350, %sub3A_400 : i32
        %dma_wait3A_402 = arith.constant 0 : i32
        %dma_wait3A_403 = tpu.memref_slice %arg4[%sub3A_401, %select_n3A_207, %select_n3A_223, %dma_wait3A_402] : memref<16x8x8x4096xf32, #tpu.memory_space<hbm>> -> memref<1x1x1x4096xf32, #tpu.memory_space<hbm>>
        %dma_wait3A_404 = tpu.memref_squeeze %dma_wait3A_403 : memref<1x1x1x4096xf32, #tpu.memory_space<hbm>> -> memref<4096xf32, #tpu.memory_space<hbm>>
        %dma_wait3A_405 = arith.constant 0 : i32
        %dma_wait3A_406 = tpu.memref_slice %arg4[%sub3A_401, %select_n3A_207, %select_n3A_223, %dma_wait3A_405] : memref<16x8x8x4096xf32, #tpu.memory_space<hbm>> -> memref<1x1x1x4096xf32, #tpu.memory_space<hbm>>
        %dma_wait3A_407 = tpu.memref_squeeze %dma_wait3A_406 : memref<1x1x1x4096xf32, #tpu.memory_space<hbm>> -> memref<4096xf32, #tpu.memory_space<hbm>>
        tpu.wait_dma2 semaphore(%arg16 : memref<!tpu.dma_semaphore, #tpu.memory_space<semaphore_mem>>) src(%arg11 : memref<4096xf32, #tpu.memory_space<vmem>>) dst(%dma_wait3A_407 : memref<4096xf32, #tpu.memory_space<hbm>>)
      } else {
      }
      %parallel_loop3A_389 = arith.constant 0 : i32
      %parallel_loop3A_390 = arith.constant 256 : i32
      %parallel_loop3A_391 = arith.constant 1 : i32
      scf.for %parallel_loop3A_400 = %parallel_loop3A_389 to %parallel_loop3A_390 step %parallel_loop3A_391  : i32 {
        %parallel_loop3A_401 = arith.constant 16 : i32
        %parallel_loop3A_402 = arith.muli %parallel_loop3A_400, %parallel_loop3A_401 : i32
        %parallel_loop3A_403 = arith.index_cast %parallel_loop3A_402 : i32 to index
        %parallel_loop3A_404 = tpu.vector_load %arg9[%parallel_loop3A_403] {strides = array<i32>} : memref<4096xi32, #tpu.memory_space<vmem>>, vector<16xi32>,
        %parallel_loop3A_405 = tpu.vector_load_idx %arg5[%parallel_loop3A_404] : memref<100000xf32, #tpu.memory_space<vmem>>[vector<16xi32>], vector<16xf32>,
        %parallel_loop3A_406 = arith.index_cast %parallel_loop3A_402 : i32 to index
        %parallel_loop3A_407 = tpu.vector_load %arg11[%parallel_loop3A_406] {strides = array<i32>} : memref<4096xf32, #tpu.memory_space<vmem>>, vector<16xf32>,
        tpu.vector_store %arg11[%parallel_loop3A_406], %parallel_loop3A_405 {strides = array<i32>} : memref<4096xf32, #tpu.memory_space<vmem>>, vector<16xf32>,
      } {sc.loop_unroll_factor = 16 : i64, sc.parallel_access}
      %add3A_392 = arith.constant 1 : i32
      %add3A_393 = arith.addi %mul3A_350, %add3A_392 : i32
      %dma_start3A_394 = arith.constant 0 : i32
      %dma_start3A_395 = tpu.memref_slice %arg4[%add3A_393, %select_n3A_207, %select_n3A_223, %dma_start3A_394] : memref<16x8x8x4096xf32, #tpu.memory_space<hbm>> -> memref<1x1x1x4096xf32, #tpu.memory_space<hbm>>
      %dma_start3A_396 = tpu.memref_squeeze %dma_start3A_395 : memref<1x1x1x4096xf32, #tpu.memory_space<hbm>> -> memref<4096xf32, #tpu.memory_space<hbm>>
      %dma_start3A_397 = arith.constant 0 : i32
      %dma_start3A_398 = tpu.memref_slice %arg4[%add3A_393, %select_n3A_207, %select_n3A_223, %dma_start3A_397] : memref<16x8x8x4096xf32, #tpu.memory_space<hbm>> -> memref<1x1x1x4096xf32, #tpu.memory_space<hbm>>
      %dma_start3A_399 = tpu.memref_squeeze %dma_start3A_398 : memref<1x1x1x4096xf32, #tpu.memory_space<hbm>> -> memref<4096xf32, #tpu.memory_space<hbm>>
      tpu.enqueue_dma source(%arg11 : memref<4096xf32, #tpu.memory_space<vmem>>) target(%dma_start3A_399 : memref<4096xf32, #tpu.memory_space<hbm>>) target_semaphore(%arg16 : memref<!tpu.dma_semaphore, #tpu.memory_space<semaphore_mem>>)
    }
    %scan3A_333 = arith.constant 8 : i32
    %dma_wait3A_334 = arith.constant 14 : i32
    %dma_wait3A_335 = arith.constant 0 : i32
    %dma_wait3A_336 = tpu.memref_slice %arg4[%dma_wait3A_334, %select_n3A_207, %select_n3A_223, %dma_wait3A_335] : memref<16x8x8x4096xf32, #tpu.memory_space<hbm>> -> memref<1x1x1x4096xf32, #tpu.memory_space<hbm>>
    %dma_wait3A_337 = tpu.memref_squeeze %dma_wait3A_336 : memref<1x1x1x4096xf32, #tpu.memory_space<hbm>> -> memref<4096xf32, #tpu.memory_space<hbm>>
    %dma_wait3A_338 = arith.constant 0 : i32
    %dma_wait3A_339 = tpu.memref_slice %arg4[%dma_wait3A_334, %select_n3A_207, %select_n3A_223, %dma_wait3A_338] : memref<16x8x8x4096xf32, #tpu.memory_space<hbm>> -> memref<1x1x1x4096xf32, #tpu.memory_space<hbm>>
    %dma_wait3A_340 = tpu.memref_squeeze %dma_wait3A_339 : memref<1x1x1x4096xf32, #tpu.memory_space<hbm>> -> memref<4096xf32, #tpu.memory_space<hbm>>
    tpu.wait_dma2 semaphore(%arg15 : memref<!tpu.dma_semaphore, #tpu.memory_space<semaphore_mem>>) src(%arg10 : memref<4096xf32, #tpu.memory_space<vmem>>) dst(%dma_wait3A_340 : memref<4096xf32, #tpu.memory_space<hbm>>)
    %dma_wait3A_341 = arith.constant 15 : i32
    %dma_wait3A_342 = arith.constant 0 : i32
    %dma_wait3A_343 = tpu.memref_slice %arg4[%dma_wait3A_341, %select_n3A_207, %select_n3A_223, %dma_wait3A_342] : memref<16x8x8x4096xf32, #tpu.memory_space<hbm>> -> memref<1x1x1x4096xf32, #tpu.memory_space<hbm>>
    %dma_wait3A_344 = tpu.memref_squeeze %dma_wait3A_343 : memref<1x1x1x4096xf32, #tpu.memory_space<hbm>> -> memref<4096xf32, #tpu.memory_space<hbm>>
    %dma_wait3A_345 = arith.constant 0 : i32
    %dma_wait3A_346 = tpu.memref_slice %arg4[%dma_wait3A_341, %select_n3A_207, %select_n3A_223, %dma_wait3A_345] : memref<16x8x8x4096xf32, #tpu.memory_space<hbm>> -> memref<1x1x1x4096xf32, #tpu.memory_space<hbm>>
    %dma_wait3A_347 = tpu.memref_squeeze %dma_wait3A_346 : memref<1x1x1x4096xf32, #tpu.memory_space<hbm>> -> memref<4096xf32, #tpu.memory_space<hbm>>
    tpu.wait_dma2 semaphore(%arg16 : memref<!tpu.dma_semaphore, #tpu.memory_space<semaphore_mem>>) src(%arg11 : memref<4096xf32, #tpu.memory_space<vmem>>) dst(%dma_wait3A_347 : memref<4096xf32, #tpu.memory_space<hbm>>)
    return
  }
}

</mosaic_0001>

<sc_bundles>
// kernel: kernel.3.cloned.1.call-start
scs
__scs_entry_jumppad:
0x0: {  	(pc) =	sbr.rel $0x88, $3  }
0x1: {  	(tag) =	ssettag $0x0;
	lr =	simm.s32 $0x1  }
0x2: {  	[smem:$0x3F9F] =	sst lr;
	_ =	strace $0xD0000000  }
0x3: {  	_ = 	snop  }
0x4: {  	_ = 	snop  }
0x5: {  	_ = 	snop  }
0x6: {  	_ = 	snop  }
0x7: {  	_ = 	snop  }
__scs_overlays_trampoline_lowered:
0x8: {  	[smem:$0x3FAE] =	sst s0  }
0x9: {  	[smem:$0x3FAF] =	sst s1  }
0xa: {  	[smem:$0x3FB0] =	sst s2  }
0xb: {  	[smem:$0x3FB1] =	sst s3  }
0xc: {  	[smem:$0x3FB2] =	sst s4  }
0xd: {  	[smem:$0x3FB3] =	sst s5  }
0xe: {  	[smem:$0x3FB4] =	sst s6  }
0xf: {  	[smem:$0x3FB5] =	sst s7  }
0x10: {  	[smem:$0x3FB6] =	sst s8  }
0x11: {  	[smem:$0x3FB7] =	sst s9;
	s0 =	simm.s32 @!p0 $0x0  }
0x12: {  	s1 =	sld [smem:$0x3F9D];
	s0 =	simm.s32 @p0 $0x1  }
0x13: {  	[smem:$0x3FB8] =	sst s0;
	s0 =	simm.s32 @!p1 $0x0  }
0x14: {  	s2 =	sld [smem:$0x3F9C];
	s0 =	simm.s32 @p1 $0x1  }
0x15: {  	[smem:$0x3FB9] =	sst s0;
	s0 =	simm.s32 @!p2 $0x0  }
0x16: {  	s3 =	sld [smem:$0x3FDB];
	s0 =	simm.s32 @p2 $0x1  }
0x17: {  	s4 =	simm.s32 $0x1BF5;
	[smem:$0x3FBB] =	sst s0  }
0x18: {  	s0 =	sld [smem:$0x3F9E];
	_ =	swait.ge [sflag:s4], $0x0  }
0x19: {  	s7 =	sld [smem:$0x3F9F]  }
0x1a: {  	s8 =	sadd.s32 $0xFFFFE003, lr  }
0x1b: {  	s9 =	sadd.s32 $0xFFFFFEF7, lr;
	s5 =	simm.s32 $0xFFFFFFFF;
	p2 =	slt.u32 s8, $0xFFFFF086  }
0x1c: {  	p1 =	slt.u32 s9, $0xF7A;
	s5 =	simm.s32 @!p2 $0x0  }
0x1d: {  	s5 =	simm.s32 @p1 $0x1;
	p0 =	seq.s32 s7, s2  }
0x1e: {  	s7 =	smul.u32 @!p0 $0xF7A, s2;
	p2 =	seq.s32 @!p0 s5, $0x0  }
0x1f: {  	s9 =	smul.u32 $0xF7A, s1;
	s8 =	simm.s32 @!p0 $0x1BF5;
	p2 =	por !p2, p0  }
0x20: {  	[sflag:s8] =	ssyncset.s32 @!p0 $0xFFFFF086;
	s6 =	sadd.s32 @!p0 s3, s7;
	s7 =	simm.s32 @!p0 $0x108  }
0x21: {  	s3 =	sadd.s32 s3, s9;
	s6 =	sadd.s32 @!p0 $0x88, s6;
	s7 =	simm.s32 @p2 $0x1082  }
0x22: {  	[simem:s7], [sflag:s8] =	dma.local @!p0 [hbm:s6], $0xF7A  }
0x23: {  	s9 =	sor.u32 $0xD0000000, s2;
	s6 =	simm.s32 $0x108;
	_ =	swait.ge @!p0 [sflag:s8], $0x0  }
0x24: {  	s3 =	sadd.s32 $0x88, s3;
	s6 =	simm.s32 @!p1 $0x1082;
	[sflag:s4] =	ssyncset.s32 $0xFFFFF086  }
0x25: {  	[simem:s6], [sflag:s4] =	dma.local [hbm:s3], $0xF7A  }
0x26: {  	[smem:$0x3F9F] =	sst s1;
	(tag) =	ssettag s2;
	_ =	strace s9  }
0x27: {  	s1 =	sld [smem:$0x3FAF]  }
0x28: {  	s2 =	sld [smem:$0x3FB0]  }
0x29: {  	s4 =	sld [smem:$0x3FB2]  }
0x2a: {  	p0 =	seq.s32 s5, $0x0;
	s5 =	sld [smem:$0x3FB3]  }
0x2b: {  	s6 =	sld [smem:$0x3FB4]  }
0x2c: {  	s7 =	sld [smem:$0x3FB5]  }
0x2d: {  	s3 =	simm.s32 $0x108;
	s8 =	sld [smem:$0x3FB6]  }
0x2e: {  	s3 =	simm.s32 @!p0 $0x1082;
	s9 =	sld [smem:$0x3FB7]  }
0x2f: {  	lr =	sadd.s32 s0, s3;
	s0 =	sld [smem:$0x3FAE]  }
0x30: {  	s3 =	sld [smem:$0x3FB1]  }
0x31: {  	[smem:$0x3FBA] =	sst s10  }
0x32: {  	s10 =	sld [smem:$0x3FB8];
	_ =	sdelay $0x3  }
0x33: {  	p0 =	seq.s32 s10, $0x1;
	s10 =	sld [smem:$0x3FBA];
	_ =	sdelay $0x3  }
0x34: {  	[smem:$0x3FBA] =	sst s10  }
0x35: {  	s10 =	sld [smem:$0x3FB9];
	_ =	sdelay $0x3  }
0x36: {  	p1 =	seq.s32 s10, $0x1;
	s10 =	sld [smem:$0x3FBA];
	_ =	sdelay $0x3  }
0x37: {  	[smem:$0x3FBA] =	sst s10  }
0x38: {  	s10 =	sld [smem:$0x3FBB]  }
0x39: {  	_ = 	snop;
	(pc) =	sbr.ind lr, $3  }
0x3a: {  	_ = 	snop  }
0x3b: {  	_ = 	snop  }
0x3c: {  	p2 =	seq.s32 s10, $0x1;
	s10 =	sld [smem:$0x3FBA]  }
0x3d: {  	_ =	shalt  }
0x3e: {  	_ =	shalt  }
0x3f: {  	_ =	shalt  }
0x40: {  	_ =	shalt  }
0x41: {  	_ =	shalt  }
0x42: {  	_ =	shalt  }
0x43: {  	_ =	shalt  }
0x44: {  	_ =	shalt  }
0x45: {  	_ =	shalt  }
0x46: {  	_ =	shalt  }
0x47: {  	_ =	shalt  }
0x48: {  	_ =	shalt  }
0x49: {  	_ =	shalt  }
0x4a: {  	_ =	shalt  }
0x4b: {  	_ =	shalt  }
0x4c: {  	_ =	shalt  }
0x4d: {  	_ =	shalt  }
0x4e: {  	_ =	shalt  }
0x4f: {  	_ =	shalt  }
0x50: {  	_ =	shalt  }
0x51: {  	_ =	shalt  }
0x52: {  	_ =	shalt  }
0x53: {  	_ =	shalt  }
0x54: {  	_ =	shalt  }
0x55: {  	_ =	shalt  }
0x56: {  	_ =	shalt  }
0x57: {  	_ =	shalt  }
0x58: {  	_ =	shalt  }
0x59: {  	_ =	shalt  }
0x5a: {  	_ =	shalt  }
0x5b: {  	_ =	shalt  }
0x5c: {  	_ =	shalt  }
0x5d: {  	_ =	shalt  }
0x5e: {  	_ =	shalt  }
0x5f: {  	_ =	shalt  }
0x60: {  	_ =	shalt  }
0x61: {  	_ =	shalt  }
0x62: {  	_ =	shalt  }
0x63: {  	_ =	shalt  }
0x64: {  	_ =	shalt  }
0x65: {  	_ =	shalt  }
0x66: {  	_ =	shalt  }
0x67: {  	_ =	shalt  }
0x68: {  	_ =	shalt  }
0x69: {  	_ =	shalt  }
0x6a: {  	_ =	shalt  }
0x6b: {  	_ =	shalt  }
0x6c: {  	_ =	shalt  }
0x6d: {  	_ =	shalt  }
0x6e: {  	_ =	shalt  }
0x6f: {  	_ =	shalt  }
0x70: {  	_ =	shalt  }
0x71: {  	_ =	shalt  }
0x72: {  	_ =	shalt  }
0x73: {  	_ =	shalt  }
0x74: {  	_ =	shalt  }
0x75: {  	_ =	shalt  }
0x76: {  	_ =	shalt  }
0x77: {  	_ =	shalt  }
0x78: {  	_ =	shalt  }
0x79: {  	_ =	shalt  }
0x7a: {  	_ =	shalt  }
0x7b: {  	_ =	shalt  }
0x7c: {  	_ =	shalt  }
0x7d: {  	_ =	shalt  }
0x7e: {  	_ =	shalt  }
0x7f: {  	_ =	shalt  }
0x80: {  	_ =	shalt  }
0x81: {  	_ =	shalt  }
0x82: {  	_ =	shalt  }
0x83: {  	_ =	shalt  }
0x84: {  	_ =	shalt  }
0x85: {  	_ =	shalt  }
0x86: {  	_ =	shalt  }
0x87: {  	_ =	shalt  }
.Lfunc_end0:
.L_simem_size_0:
called_computation_lowered:
.L_overlay_start_0:
0x88: {  	s2 =	sld [smem:$0x3FD9]  }
0x89: {  	s3 =	sld [smem:$0x3FFE];
	_ =	sdelay $0x1  }
0x8a: {  	s1 =	srdreg.scid  }
0x8b: {  	s0 =	sand.u32 $0x1, s1  }
0x8c: {  	s18 =	sshll.u32 s0, $0xA;
	s2 =	sadd.s32 s3, s2  }
0x8d: {  	s2 =	sadd.s32 s2, s18  }
0x8e: {  	[smem:$0x3FC6] =	sst s2  }
0x8f: {  	_ = 	snop  }
0x90: {  	s2 =	sld [smem:$0x3FC9]  }
0x91: {  	s19 =	sld [smem:$0x3FC8]  }
0x92: {  	s4 =	sld [smem:$0x3FD0];
	(tm) =	ssettm $0x1  }
0x93: {  	s5 =	sld [smem:$0x3FFB];
	_ =	sdelay $0x3  }
0x94: {  	_ =	strace s5  }
0x95: {  	s5 =	sld [smem:$0x3FFC];
	_ =	sdelay $0x3  }
0x96: {  	_ =	strace s5  }
0x97: {  	s5 =	sld [smem:$0x3FFD];
	_ =	sdelay $0x3  }
0x98: {  	_ =	strace s5  }
0x99: {  	_ =	strace $0x8FFFFFFF  }
0x9a: {  	s20 =	sld [smem:$0x3FDB];
	_ =	sdelay $0x1  }
0x9b: {  	s6 =	simm.s32 $_scs_section_size  }
0x9c: {  	s7 =	simm.s32 $_size__tile_overlayer_lowered;
	s8 =	simm.s32 $_tile_overlayer_lowered  }
0x9d: {  	s23 =	simm.s32 $0x1BFF;
	s22 =	sshll.u32 s8, $0x1;
	s5 =	sadd.s32 s6, s20  }
0x9e: {  	s9 =	simm.s32 $0x0;
	s21 =	sshll.u32 s7, $0x1;
	s7 =	sadd.s32 s22, s5  }
0x9f: {  	[timem:s9], [sflag:s23] =	dma.local [hbm:s7], s21  }
0xa0: {  	_ =	swait.ge [sflag:s23], s21  }
0xa1: {  	s6 =	ssub.s32 $0x0, s21;
	[sflag:s23] =	ssyncset.done $0x0  }
0xa2: {  	[sflag:s23] =	ssyncadd.s32 s6;
	_ =	sdelay $0x1  }
0xa3: {  	s24 =	simm.s32 $0x1B8B  }
0xa4: {  	_ =	swait.ge [sflag:s24], $0x1  }
0xa5: {  	[sflag:s24] =	ssyncset.done $0x0  }
0xa6: {  	s25 =	simm.s32 $0x1B8E;
	[sflag:s24] =	ssyncadd.s32 $0xFFFFFFFF  }
0xa7: {  	s26 =	simm.s32 $execute0_lowered;
	[smem:$0x3FD2] =	sst s25  }
0xa8: {  	s6 =	sshll.u32 s26, $0x1;
	_ =	strace $0x80000046;
	[dreg:$0x1] =	wrdreg $0xFFFFFFFF  }
0xa9: {  	s28 =	simm.s32 $_size_execute0_lowered;
	s5 =	sadd.s32 s5, s6;
	[dreg:$0x0] =	wrdreg $0x0  }
0xaa: {  	s6 =	sshll.u32 s28, $0x1;
	[dreg:$0x2] =	wrdreg s5  }
0xab: {  	[dreg:$0x3] =	wrdreg s6  }
0xac: {  	[dreg:$0x4] =	wrdreg $0xC0  }
0xad: {  	_ =	task [dreg:s9], $0x5FFFF  }
0xae: {  	[dreg:$0x1] =	wrdreg $0xFFFFFFFF  }
0xaf: {  	[dreg:$0x0] =	wrdreg $0x60  }
0xb0: {  	[dreg:$0x2] =	wrdreg s2  }
0xb1: {  	[dreg:$0x3] =	wrdreg s19  }
0xb2: {  	[dreg:$0x4] =	wrdreg s4  }
0xb3: {  	[dreg:$0x5] =	wrdreg $0x1E7000  }
0xb4: {  	[dreg:$0x6] =	wrdreg $0x9  }
0xb5: {  	_ =	task.clear_ibuf [dreg:s9], $0x7FFFF;
	_ =	strace $0x90000046  }
0xb6: {  	s29 =	simm.s32 $0x9;
	_ =	strace $0x80000048  }
0xb7: {  	_ =	swait.ge [sflag:s29], $0x1  }
0xb8: {  	[sflag:s29] =	ssyncadd.s32 $0xFFFFFFFF  }
0xb9: {  	_ =	strace $0x90000048  }
0xba: {  	_ =	sfence  }
0xbb: {  	s30 =	sld [smem:$0x0];
	_ =	sdelay $0x2  }
0xbc: {  	s31 =	sshll.u32 s1, $0xD;
	s1 =	sshrl.u32 s1, $0x2  }
0xbd: {  	s3 =	sand.u32 $0x4000, s31;
	s1 =	sadd.s32 s1, s30  }
0xbe: {  	s0 =	sor.u32 s3, s0;
	s1 =	sshll.u32 s1, $0x11  }
0xbf: {  	s0 =	sor.u32 s1, s0  }
0xc0: {  	s0 =	sadd.s32 $0x8F2B, s0  }
0xc1: {  	[sflag:s0] =	ssyncadd.remote.s32 $0x1  }
0xc2: {  	_ =	sfence.sel $0xFFFF  }
0xc3: {  	[dreg:$0x0] =	wrdreg $0xFFFFFFFF;
	(pc) =	sbr.abs _section_cstart, $3  }
0xc4: {  	[dreg:$0x1] =	wrdreg $0xFFFFFFFF  }
0xc5: {  	_ =	task.clear_ibuf [dreg:s9], $0x2FFFF;
	_ =	strace $0x9FFFFFFF  }
0xc6: {  	(tm) =	ssettm $0x7FFFFFFF  }
0xc7: {  	_ =	shalt  }
tec
execute0_lowered:
.L_overlay_start_1:
0x0: {  	(tag) =	ssettag $0x1  }
0x1: {  	s1 =	rddreg [dreg:$0x0]  }
0x2: {  	s0 =	rddreg [dreg:$0x1];
	s2 =	srdreg.scid  }
0x3: {  	s3 =	rddreg [dreg:$0x2];
	s17 =	stileid.u32  }
0x4: {  	s4 =	rddreg [dreg:$0x3];
	s21 =	simm.s32 $0x80;
	s22 =	simm.s32 $0x400  }
0x5: {  	s28 =	simm.s32 $0x1B700;
	s29 =	simm.s32 $0x1C700;
	s30 =	simm.s32 $0x1D700  }
0x6: {  	s31 =	simm.s32 $0x3;
	s2 =	sand.u32 $0x1, s2;
	s6 =	sshll.u32 s17, $0x1  }
0x7: {  	s10 =	sshll.u32 s17, $0xD;
	s11 =	sshll.u32 s17, $0x10;
	s24 =	sshll.u32 s17, $0x8  }
0x8: {  	s25 =	sshll.u32 s17, $0xC;
	s5 =	sshll.u32 s2, $0x5;
	s8 =	sand.u32 $0x6, s6  }
0x9: {  	s2 =	ssub.s32 $0x2, s2;
	s12 =	sand.u32 $0x300, s24;
	s24 =	simm.s32 $0x6  }
0xa: {  	s7 =	sor.u32 s6, s5;
	s5 =	simm.s32 $0x0;
	p1 =	sne.s32 s8, $0x0  }
0xb: {  	s6 =	simm.s32 $0x1;
	s9 =	sshrl.u32 s2, $0x1;
	s14 =	sshll.u32 s8, $0x7  }
0xc: {  	s8 =	simm.s32 $0x1;
	s16 =	sor.u32 $0x80, s12;
	s12 =	sadd.s32 s25, s4  }
0xd: {  	s25 =	simm.s32 $0x5;
	p0 =	seq.s32 s7, $0x0;
	s7 =	sshrl.u32 s7, $0x3  }
0xe: {  	[smem:$0x7FF] =	sst s5;
	p0 =	por !p0, !p1;
	s15 =	smul.u32 $0xC3800, s7  }
0xf: {  	s2 =	ssub.s32 s2, s9;
	_ =	strace $0x80000047;
	p0 =	por !p0, !p0  }
0x10: {  	s26 =	sshll.u32 s7, $0xF;
	s6 =	simm.s32 @!p0 $0x0;
	s15 =	sor.u32 s16, s15  }
0x11: {  	s16 =	sor.u32 s16, s26;
	s13 =	ssub.s32 s7, s6;
	s6 =	sadd.s32 s1, s10  }
0x12: {  	s26 =	simm.s32 $0x2;
	s23 =	smul.u32 $0xC3800, s13;
	s10 =	sadd.s32 $0x100, s6  }
0x13: {  	s15 =	sshrl.u32 s15, $0x3;
	s13 =	sshll.u32 s13, $0xF;
	[dreg:$0x5] =	wrdreg s10  }
0x14: {  	s10 =	sor.u32 $0x1000, s11;
	s11 =	sor.u32 $0x1800, s11;
	s9 =	sor.u32 s14, s23  }
0x15: {  	s13 =	sor.u32 s14, s13;
	s14 =	sadd.s32 s0, s15;
	s9 =	sshrl.u32 s9, $0x3  }
0x16: {  	s15 =	smax.u32 s2, $0x1;
	s23 =	simm.s32 $0x1A700;
	s9 =	sadd.s32 s0, s9  }
0x17: {  	s2 =	simm.s32 $0x4;
	s0 =	simm.s32 $0x0;
	[dreg:$0x6] =	wrdreg s9  }
.LBB2_1:
0x18: {  	s9 =	simm.s32 $0x800;
	s17 =	simm.s32 $0x8000;
	s7 =	simm.s32 $0x18700  }
0x19: {  	[tilespmem:s7], [sflag:$0x1] =	stream.strided.gather [hbm4b:s6+s9], $0x1000, s17, s9, $0x38;
	[tilespmem:$0x1F700] =	vst v63  }
0x1a: {  	s19 =	rddreg [dreg:$0x5];
	s18 =	simm.s32 $0x19700  }
0x1b: {  	[tilespmem:s18], [sflag:$0x1] =	stream.strided.gather [hbm4b:s19+s9], $0x1000, s17, s9, $0x38;
	[tilespmem:$0x1F700] =	vst v63  }
0x1c: {  	s20 =	rddreg [dreg:$0x6];
	s19 =	simm.s32 $0x0  }
0x1d: {  	[tilespmem:s5], [sflag:$0x5] =	stream.strided.gather [hbm4b:s20+s21], $0x18700, s22, s21, $0x38;
	[tilespmem:$0x1F700] =	vst v63  }
.LBB2_3:
0x1e: {  	s20 =	sshll.u32 s19, $0xC;
	p0 =	seq.s32 s19, $0x7;
	_ =	swait.ge [sflag:s8], $0x1000  }
0x1f: {  	s7 =	sadd.s32 @!p0 s10, s20;
	[sflag:s8] =	ssyncset.done $0x0  }
0x20: {  	s17 =	simm.s32 @!p0 $0x800;
	s18 =	simm.s32 @!p0 $0x8000;
	s7 =	sshrl.u32 @!p0 s7, $0x3  }
0x21: {  	s9 =	simm.s32 @!p0 $0x18700;
	[sflag:s8] =	ssyncadd.s32 $0xFFFFF000;
	s7 =	sadd.s32 @!p0 s1, s7  }
0x22: {  	[tilespmem:s9], [sflag:$0x1] =	stream.strided.gather @!p0 [hbm4b:s7+s17], $0x1000, s18, s17, $0x38;
	[tilespmem:$0x1F700] =	vst v63  }
0x23: {  	s18 =	sshll.u32 s19, $0xB  }
0x24: {  	s17 =	sshra.s32 s18, $0x2  }
0x25: {  	s7 =	sadd.s32 $0x1A700, s17  }
0x26: {  	p1 =	por $0x1, $0x1;
	s19 =	sadd.s32 $0x1, s19;
	s18 =	simm.s32 $0x0;
	v0 =	vmov s7  }
.LBB2_4:
0x27: {  	s7 =	sshll.u32 s18, $0x7  }
0x28: {  	s7 =	sand.u32 $0x3FFFFF80, s7  }
0x29: {  	v1 =	vld [tilespmem:s7+$0x18700]  }
0x2a: {  	v2 =	vld [tilespmem:s7+$0x18780]  }
0x2b: {  	v4 =	vld [tilespmem:s7+$0x18800]  }
0x2c: {  	v5 =	vld [tilespmem:s7+$0x18880]  }
0x2d: {  	v6 =	vld [tilespmem:s7+$0x18900]  }
0x2e: {  	v7 =	vld [tilespmem:s7+$0x18980]  }
0x2f: {  	v8 =	vld [tilespmem:s7+$0x18A00]  }
0x30: {  	v9 =	vld [tilespmem:s7+$0x18A80]  }
0x31: {  	v10 =	vld [tilespmem:s7+$0x18F00]  }
0x32: {  	v11 =	vld [tilespmem:s7+$0x18F80]  }
0x33: {  	v12 =	vld [tilespmem:s7+$0x19000]  }
0x34: {  	v13 =	vld [tilespmem:s7+$0x19080]  }
0x35: {  	v15 =	vld [tilespmem:s7+$0x19100]  }
0x36: {  	v17 =	vld [tilespmem:s7+$0x19180]  }
0x37: {  	v18 =	vld [tilespmem:s7+$0x19200]  }
0x38: {  	v3 =	vld [tilespmem:s7+$0x19280]  }
0x39: {  	v14 =	vld [tilespmem:s7+$0x18710]  }
0x3a: {  	v16 =	vld [tilespmem:s7+$0x18790]  }
0x3b: {  	v19 =	vld [tilespmem:s7+$0x18810]  }
0x3c: {  	v20 =	vld [tilespmem:s7+$0x18890]  }
0x3d: {  	v21 =	vld [tilespmem:s7+$0x18910]  }
0x3e: {  	v22 =	vld [tilespmem:s7+$0x18990]  }
0x3f: {  	v23 =	vld [tilespmem:s7+$0x18A10]  }
0x40: {  	v24 =	vld [tilespmem:s7+$0x18A90]  }
0x41: {  	v25 =	vld [tilespmem:s7+$0x18F10];
	v1 =	vxor.u32 $0x811C9DC5, v1  }
0x42: {  	v26 =	vld [tilespmem:s7+$0x18F90];
	v1 =	vmul.u32 $0x1000193, v1  }
0x43: {  	v27 =	vld [tilespmem:s7+$0x19010]  }
0x44: {  	v37 =	vld [tilespmem:s7+$0x187A0];
	v1 =	vxor.u32 v2, v1  }
0x45: {  	v2 =	vld [tilespmem:s7+$0x18720];
	v1 =	vmul.u32 $0x1000193, v1  }
0x46: {  	v28 =	vld [tilespmem:s7+$0x19090]  }
0x47: {  	v29 =	vld [tilespmem:s7+$0x19110];
	v1 =	vxor.u32 v4, v1  }
0x48: {  	v38 =	vld [tilespmem:s7+$0x18820];
	v14 =	vxor.u32 $0x811C9DC5, v14;
	v1 =	vmul.u32 $0x1000193, v1  }
0x49: {  	v30 =	vld [tilespmem:s7+$0x19190];
	v14 =	vmul.u32 $0x1000193, v14  }
0x4a: {  	v31 =	vld [tilespmem:s7+$0x19210];
	v2 =	vxor.u32 $0x811C9DC5, v2;
	v1 =	vxor.u32 v5, v1  }
0x4b: {  	v39 =	vld [tilespmem:s7+$0x188A0];
	v14 =	vxor.u32 v16, v14;
	v2 =	vmul.u32 $0x1000193, v2;
	v1 =	vmul.u32 $0x1000193, v1  }
0x4c: {  	v41 =	vld [tilespmem:s7+$0x19290];
	v14 =	vmul.u32 $0x1000193, v14  }
0x4d: {  	v42 =	vld [tilespmem:s7+$0x18920];
	v2 =	vxor.u32 v37, v2;
	v1 =	vxor.u32 v6, v1  }
0x4e: {  	v43 =	vld [tilespmem:s7+$0x189A0];
	v40 =	vxor.u32 v19, v14;
	v2 =	vmul.u32 $0x1000193, v2;
	v1 =	vmul.u32 $0x1000193, v1  }
0x4f: {  	v44 =	vld [tilespmem:s7+$0x18A20];
	v6 =	vmul.u32 $0x1000193, v40  }
0x50: {  	v45 =	vld [tilespmem:s7+$0x18AA0];
	v2 =	vxor.u32 v38, v2;
	v1 =	vxor.u32 v7, v1  }
0x51: {  	v46 =	vld [tilespmem:s7+$0x18F20];
	v6 =	vxor.u32 v20, v6;
	v2 =	vmul.u32 $0x1000193, v2;
	v1 =	vmul.u32 $0x1000193, v1  }
0x52: {  	v47 =	vld [tilespmem:s7+$0x18FA0];
	v6 =	vmul.u32 $0x1000193, v6  }
0x53: {  	v48 =	vld [tilespmem:s7+$0x19020];
	v2 =	vxor.u32 v39, v2;
	v1 =	vxor.u32 v8, v1  }
0x54: {  	v49 =	vld [tilespmem:s7+$0x190A0];
	v6 =	vxor.u32 v21, v6;
	v2 =	vmul.u32 $0x1000193, v2;
	v1 =	vmul.u32 $0x1000193, v1  }
0x55: {  	v50 =	vld [tilespmem:s7+$0x19120];
	v6 =	vmul.u32 $0x1000193, v6  }
0x56: {  	v51 =	vld [tilespmem:s7+$0x191A0];
	v2 =	vxor.u32 v42, v2;
	v1 =	vxor.u32 v9, v1  }
0x57: {  	v32 =	vld [tilespmem:s7+$0x19220];
	v6 =	vxor.u32 v22, v6;
	v2 =	vmul.u32 $0x1000193, v2;
	v1 =	vmul.u32 $0x1000193, v1  }
0x58: {  	v52 =	vld [tilespmem:s7+$0x192A0];
	v6 =	vmul.u32 $0x1000193, v6  }
0x59: {  	v33 =	vld [tilespmem:s7+$0x18730];
	v2 =	vxor.u32 v43, v2;
	v1 =	vxor.u32 v10, v1  }
0x5a: {  	v53 =	vld [tilespmem:s7+$0x187B0];
	v6 =	vxor.u32 v23, v6;
	v2 =	vmul.u32 $0x1000193, v2;
	v1 =	vmul.u32 $0x1000193, v1  }
0x5b: {  	v54 =	vld [tilespmem:s7+$0x18830];
	v6 =	vmul.u32 $0x1000193, v6  }
0x5c: {  	v55 =	vld [tilespmem:s7+$0x188B0];
	v2 =	vxor.u32 v44, v2;
	v1 =	vxor.u32 v11, v1  }
0x5d: {  	v34 =	vld [tilespmem:s7+$0x18930];
	v6 =	vxor.u32 v24, v6;
	v2 =	vmul.u32 $0x1000193, v2;
	v1 =	vmul.u32 $0x1000193, v1  }
0x5e: {  	v35 =	vld [tilespmem:s7+$0x18A30];
	v6 =	vmul.u32 $0x1000193, v6  }
0x5f: {  	v36 =	vld [tilespmem:s7+$0x18AB0];
	v2 =	vxor.u32 v45, v2;
	v1 =	vxor.u32 v12, v1  }
0x60: {  	v59 =	vld [tilespmem:s7+$0x18740];
	v6 =	vxor.u32 v25, v6;
	v2 =	vmul.u32 $0x1000193, v2;
	v1 =	vmul.u32 $0x1000193, v1  }
0x61: {  	v60 =	vld [tilespmem:s7+$0x187C0];
	v6 =	vmul.u32 $0x1000193, v6  }
0x62: {  	v61 =	vld [tilespmem:s7+$0x18840];
	v2 =	vxor.u32 v46, v2;
	v1 =	vxor.u32 v13, v1  }
0x63: {  	v62 =	vld [tilespmem:s7+$0x188C0];
	v6 =	vxor.u32 v26, v6;
	v2 =	vmul.u32 $0x1000193, v2;
	v1 =	vmul.u32 $0x1000193, v1  }
0x64: {  	v63 =	vld [tilespmem:s7+$0x18940];
	v6 =	vmul.u32 $0x1000193, v6  }
0x65: {  	v16 =	vld [tilespmem:s7+$0x18F30];
	v2 =	vxor.u32 v47, v2;
	v1 =	vxor.u32 v15, v1  }
0x66: {  	v14 =	vld [tilespmem:s7+$0x18FB0];
	v6 =	vxor.u32 v27, v6;
	v2 =	vmul.u32 $0x1000193, v2;
	v1 =	vmul.u32 $0x1000193, v1  }
0x67: {  	v5 =	vld [tilespmem:s7+$0x191B0];
	v6 =	vmul.u32 $0x1000193, v6  }
0x68: {  	v37 =	vld [tilespmem:s7+$0x189C0];
	v2 =	vxor.u32 v48, v2;
	v1 =	vxor.u32 v17, v1  }
0x69: {  	v7 =	vld [tilespmem:s7+$0x19130];
	v56 =	vmul.u32 $0x1000193, v2;
	v57 =	vmul.u32 $0x1000193, v1;
	v1 =	vxor.u32 v28, v6  }
0x6a: {  	v39 =	vxor.u32 $0x811C9DC5, v59;
	v10 =	vld [tilespmem:s7+$0x190B0];
	v6 =	vmul.u32 $0x1000193, v1  }
0x6b: {  	v11 =	vmul.u32 $0x1000193, v39;
	v39 =	vld [tilespmem:s7+$0x18960];
	v8 =	vxor.u32 v49, v56;
	v58 =	vxor.u32 v18, v57  }
0x6c: {  	v25 =	vld [tilespmem:s7+$0x189B0];
	v8 =	vmul.u32 $0x1000193, v8;
	v9 =	vmul.u32 $0x1000193, v58;
	v6 =	vxor.u32 v29, v6  }
0x6d: {  	v44 =	vxor.u32 v60, v11;
	v11 =	vld [tilespmem:s7+$0x191C0];
	v6 =	vmul.u32 $0x1000193, v6  }
0x6e: {  	v33 =	vxor.u32 $0x811C9DC5, v33;
	v60 =	vld [tilespmem:s7+$0x187F0];
	v8 =	vxor.u32 v50, v8;
	v3 =	vxor.u32 v3, v9  }
0x6f: {  	v12 =	vld [tilespmem:s7+$0x19030];
	v8 =	vmul.u32 $0x1000193, v8;
	v9 =	vmul.u32 $0x1000193, v33;
	v6 =	vxor.u32 v30, v6  }
0x70: {  	v13 =	vld [tilespmem:s7+$0x19140];
	v6 =	vmul.u32 $0x1000193, v6  }
0x71: {  	v50 =	vld [tilespmem:s7+$0x18750];
	v3 =	vmul.u32 $0x1000193, v3;
	v8 =	vxor.u32 v51, v8;
	v9 =	vxor.u32 v53, v9  }
0x72: {  	v27 =	vld [tilespmem:s7+$0x18A40];
	v8 =	vmul.u32 $0x1000193, v8;
	v9 =	vmul.u32 $0x1000193, v9;
	v6 =	vxor.u32 v31, v6  }
0x73: {  	v15 =	vld [tilespmem:s7+$0x190C0];
	v6 =	vmul.u32 $0x1000193, v6  }
0x74: {  	v2 =	vld [tilespmem:s7+$0x19230];
	v38 =	vshrl.u32 v3, $0x5;
	v8 =	vxor.u32 v32, v8;
	v42 =	vxor.u32 v54, v9  }
0x75: {  	v17 =	vld [tilespmem:s7+$0x19040];
	v8 =	vmul.u32 $0x1000193, v8;
	v43 =	vmul.u32 $0x1000193, v42;
	v6 =	vxor.u32 v41, v6  }
0x76: {  	v40 =	vmulhi.u32 $0xA7C5AC5, v38;
	v59 =	vxor.u32 $0x811C9DC5, v50;
	v19 =	vmul.u32 $0x1000193, v6  }
0x77: {  	v51 =	vld [tilespmem:s7+$0x18760];
	v41 =	vxor.u32 v52, v8;
	v8 =	vmul.u32 $0x1000193, v44;
	v4 =	vxor.u32 v55, v43  }
0x78: {  	v54 =	vld [tilespmem:s7+$0x18770];
	v23 =	vmul.u32 $0x1000193, v41;
	v4 =	vmul.u32 $0x1000193, v4;
	v46 =	vshrl.u32 v19, $0x5  }
0x79: {  	v28 =	vld [tilespmem:s7+$0x18AC0];
	v45 =	vshrl.u32 v40, $0x7;
	v20 =	vxor.u32 v61, v8;
	v47 =	vmulhi.u32 $0xA7C5AC5, v46  }
0x7a: {  	v1 =	vld [tilespmem:s7+$0x192B0];
	v48 =	vshrl.u32 v23, $0x5;
	v20 =	vmul.u32 $0x1000193, v20;
	v4 =	vxor.u32 v34, v4  }
0x7b: {  	v56 =	vld [tilespmem:s7+$0x187D0];
	v18 =	vmul.u32 $0x186A0, v45;
	v49 =	vmulhi.u32 $0xA7C5AC5, v48;
	v34 =	vmul.u32 $0x1000193, v4  }
0x7c: {  	v29 =	vld [tilespmem:s7+$0x18F40];
	v24 =	vshrl.u32 v47, $0x7;
	v53 =	vxor.u32 v62, v20;
	v62 =	vxor.u32 $0x811C9DC5, v51  }
0x7d: {  	v58 =	vld [tilespmem:s7+$0x187E0];
	v20 =	vxor.u32 $0x811C9DC5, v54;
	v24 =	vmul.u32 $0x186A0, v24;
	v6 =	vshrl.u32 v49, $0x7  }
0x7e: {  	v33 =	vld [tilespmem:s7+$0x18870];
	v55 =	vmul.u32 $0x1000193, v53;
	v57 =	vxor.u32 v25, v34;
	v31 =	vmul.u32 $0x1000193, v62  }
0x7f: {  	v30 =	vld [tilespmem:s7+$0x18FC0];
	v20 =	vmul.u32 $0x1000193, v20;
	v52 =	vmul.u32 $0x186A0, v6;
	v6 =	vsub.s32 v3, v18  }
0x80: {  	v61 =	vld [tilespmem:s7+$0x18850];
	v4 =	vsub.s32 v19, v24;
	v19 =	vmul.u32 $0x1000193, v57;
	v24 =	vmul.u32 $0x1000193, v59  }
0x81: {  	v18 =	vxor.u32 v63, v55;
	v63 =	vld [tilespmem:s7+$0x18860];
	v20 =	vxor.u32 v60, v20;
	v3 =	vsub.s32 v23, v52  }
0x82: {  	v38 =	vld [tilespmem:s7+$0x18950];
	v18 =	vmul.u32 $0x1000193, v18;
	v23 =	vxor.u32 v58, v31;
	v21 =	vxor.u32 v56, v24  }
0x83: {  	v34 =	vld [tilespmem:s7+$0x188D0];
	v20 =	vmul.u32 $0x1000193, v20;
	v19 =	vxor.u32 v35, v19;
	v21 =	vmul.u32 $0x1000193, v21  }
0x84: {  	v23 =	vmul.u32 $0x1000193, v23;
	v35 =	vld [tilespmem:s7+$0x188E0];
	v18 =	vxor.u32 v37, v18;
	v19 =	vmul.u32 $0x1000193, v19  }
0x85: {  	v37 =	vld [tilespmem:s7+$0x188F0];
	v20 =	vxor.u32 v33, v20;
	v18 =	vmul.u32 $0x1000193, v18;
	v21 =	vxor.u32 v61, v21  }
0x86: {  	v50 =	vld [tilespmem:s7+$0x18AD0];
	v19 =	vxor.u32 v36, v19;
	v23 =	vxor.u32 v63, v23;
	v21 =	vmul.u32 $0x1000193, v21  }
0x87: {  	v9 =	vld [tilespmem:s7+$0x19240];
	v18 =	vxor.u32 v27, v18;
	v19 =	vmul.u32 $0x1000193, v19;
	v23 =	vmul.u32 $0x1000193, v23  }
0x88: {  	v40 =	vld [tilespmem:s7+$0x18970];
	v20 =	vmul.u32 $0x1000193, v20;
	v18 =	vmul.u32 $0x1000193, v18;
	v21 =	vxor.u32 v34, v21  }
0x89: {  	v43 =	vld [tilespmem:s7+$0x189D0];
	v16 =	vxor.u32 v16, v19;
	v42 =	vxor.u32 v35, v23;
	v41 =	vmul.u32 $0x1000193, v21  }
0x8a: {  	v44 =	vld [tilespmem:s7+$0x189E0];
	v20 =	vxor.u32 v37, v20;
	v18 =	vxor.u32 v28, v18;
	v21 =	vmul.u32 $0x1000193, v42  }
0x8b: {  	v45 =	vld [tilespmem:s7+$0x189F0];
	v16 =	vmul.u32 $0x1000193, v16;
	v20 =	vmul.u32 $0x1000193, v20;
	v19 =	vxor.u32 v38, v41  }
0x8c: {  	v46 =	vld [tilespmem:s7+$0x18A50];
	v18 =	vmul.u32 $0x1000193, v18;
	v21 =	vxor.u32 v39, v21;
	v19 =	vmul.u32 $0x1000193, v19  }
0x8d: {  	v48 =	vld [tilespmem:s7+$0x18A60];
	v14 =	vxor.u32 v14, v16;
	v20 =	vxor.u32 v40, v20;
	v47 =	vmul.u32 $0x1000193, v21  }
0x8e: {  	v49 =	vld [tilespmem:s7+$0x18A70];
	v18 =	vxor.u32 v29, v18;
	v20 =	vmul.u32 $0x1000193, v20;
	v19 =	vxor.u32 v43, v19  }
0x8f: {  	v8 =	vld [tilespmem:s7+$0x192C0];
	v14 =	vmul.u32 $0x1000193, v14;
	v16 =	vxor.u32 v44, v47;
	v19 =	vmul.u32 $0x1000193, v19  }
0x90: {  	v51 =	vld [tilespmem:s7+$0x18AE0];
	v18 =	vmul.u32 $0x1000193, v18;
	v20 =	vxor.u32 v45, v20;
	v16 =	vmul.u32 $0x1000193, v16  }
0x91: {  	v54 =	vld [tilespmem:s7+$0x18AF0];
	v12 =	vxor.u32 v12, v14;
	v53 =	vmul.u32 $0x1000193, v20;
	v52 =	vxor.u32 v46, v19  }
0x92: {  	v55 =	vld [tilespmem:s7+$0x18F50];
	v18 =	vxor.u32 v30, v18;
	v16 =	vxor.u32 v48, v16;
	v14 =	vmul.u32 $0x1000193, v52  }
0x93: {  	v56 =	vld [tilespmem:s7+$0x18F60];
	v12 =	vmul.u32 $0x1000193, v12;
	v19 =	vxor.u32 v49, v53;
	v16 =	vmul.u32 $0x1000193, v16  }
0x94: {  	v57 =	vld [tilespmem:s7+$0x18F70];
	v18 =	vmul.u32 $0x1000193, v18;
	v19 =	vmul.u32 $0x1000193, v19;
	v14 =	vxor.u32 v50, v14  }
0x95: {  	v60 =	vld [tilespmem:s7+$0x18FD0];
	v10 =	vxor.u32 v10, v12;
	v59 =	vxor.u32 v51, v16;
	v58 =	vmul.u32 $0x1000193, v14  }
0x96: {  	v62 =	vld [tilespmem:s7+$0x18FE0];
	v17 =	vxor.u32 v17, v18;
	v61 =	vxor.u32 v54, v19;
	v14 =	vmul.u32 $0x1000193, v59  }
0x97: {  	v63 =	vld [tilespmem:s7+$0x18FF0];
	v10 =	vmul.u32 $0x1000193, v10;
	v18 =	vmul.u32 $0x1000193, v61;
	v12 =	vxor.u32 v55, v58  }
0x98: {  	v24 =	vld [tilespmem:s7+$0x19050];
	v17 =	vmul.u32 $0x1000193, v17;
	v14 =	vxor.u32 v56, v14;
	v12 =	vmul.u32 $0x1000193, v12  }
0x99: {  	v27 =	vld [tilespmem:s7+$0x19060];
	v7 =	vxor.u32 v7, v10;
	v26 =	vxor.u32 v57, v18;
	v25 =	vmul.u32 $0x1000193, v14  }
0x9a: {  	v28 =	vld [tilespmem:s7+$0x19070];
	v15 =	vxor.u32 v15, v17;
	v14 =	vmul.u32 $0x1000193, v26;
	v12 =	vxor.u32 v60, v12  }
0x9b: {  	v29 =	vld [tilespmem:s7+$0x190D0];
	v7 =	vmul.u32 $0x1000193, v7;
	v10 =	vxor.u32 v62, v25;
	v12 =	vmul.u32 $0x1000193, v12  }
0x9c: {  	v30 =	vld [tilespmem:s7+$0x190E0];
	v15 =	vmul.u32 $0x1000193, v15;
	v14 =	vxor.u32 v63, v14;
	v10 =	vmul.u32 $0x1000193, v10  }
0x9d: {  	v33 =	vld [tilespmem:s7+$0x190F0];
	v5 =	vxor.u32 v5, v7;
	v32 =	vmul.u32 $0x1000193, v14;
	v31 =	vxor.u32 v24, v12  }
0x9e: {  	v34 =	vld [tilespmem:s7+$0x19150];
	v13 =	vxor.u32 v13, v15;
	v10 =	vxor.u32 v27, v10;
	v7 =	vmul.u32 $0x1000193, v31  }
0x9f: {  	v35 =	vld [tilespmem:s7+$0x19160];
	v5 =	vmul.u32 $0x1000193, v5;
	v12 =	vxor.u32 v28, v32;
	v10 =	vmul.u32 $0x1000193, v10  }
0xa0: {  	v36 =	vld [tilespmem:s7+$0x19170];
	v13 =	vmul.u32 $0x1000193, v13;
	v12 =	vmul.u32 $0x1000193, v12;
	v7 =	vxor.u32 v29, v7  }
0xa1: {  	v39 =	vld [tilespmem:s7+$0x191D0];
	v2 =	vxor.u32 v2, v5;
	v38 =	vxor.u32 v30, v10;
	v37 =	vmul.u32 $0x1000193, v7  }
0xa2: {  	v40 =	vld [tilespmem:s7+$0x191E0];
	v11 =	vxor.u32 v11, v13;
	v12 =	vxor.u32 v33, v12;
	v7 =	vmul.u32 $0x1000193, v38  }
0xa3: {  	v41 =	vld [tilespmem:s7+$0x191F0];
	v2 =	vmul.u32 $0x1000193, v2;
	v12 =	vmul.u32 $0x1000193, v12;
	v5 =	vxor.u32 v34, v37  }
0xa4: {  	v42 =	vld [tilespmem:s7+$0x19250];
	v11 =	vmul.u32 $0x1000193, v11;
	v7 =	vxor.u32 v35, v7;
	v5 =	vmul.u32 $0x1000193, v5  }
0xa5: {  	v44 =	vld [tilespmem:s7+$0x19260];
	v1 =	vxor.u32 v1, v2;
	v43 =	vxor.u32 v36, v12;
	v2 =	vmul.u32 $0x1000193, v7  }
0xa6: {  	v45 =	vld [tilespmem:s7+$0x19270];
	v9 =	vxor.u32 v9, v11;
	v7 =	vmul.u32 $0x1000193, v43;
	v5 =	vxor.u32 v39, v5  }
0xa7: {  	v46 =	vld [tilespmem:s7+$0x192D0];
	v1 =	vmul.u32 $0x1000193, v1;
	v2 =	vxor.u32 v40, v2;
	v5 =	vmul.u32 $0x1000193, v5  }
0xa8: {  	v47 =	vld [tilespmem:s7+$0x192E0];
	v9 =	vmul.u32 $0x1000193, v9;
	v7 =	vxor.u32 v41, v7;
	v2 =	vmul.u32 $0x1000193, v2  }
0xa9: {  	v48 =	vld [tilespmem:s7+$0x192F0];
	v49 =	vshrl.u32 v1, $0x5;
	v7 =	vmul.u32 $0x1000193, v7;
	v5 =	vxor.u32 v42, v5  }
0xaa: {  	v8 =	vxor.u32 v8, v9;
	v2 =	vxor.u32 v44, v2;
	v5 =	vmul.u32 $0x1000193, v5  }
0xab: {  	v50 =	vmulhi.u32 $0xA7C5AC5, v49;
	v7 =	vxor.u32 v45, v7;
	v2 =	vmul.u32 $0x1000193, v2  }
0xac: {  	v8 =	vmul.u32 $0x1000193, v8;
	v7 =	vmul.u32 $0x1000193, v7;
	v5 =	vxor.u32 v46, v5  }
0xad: {  	v10 =	vshrl.u32 v50, $0x7;
	v2 =	vxor.u32 v47, v2;
	v5 =	vmul.u32 $0x1000193, v5  }
0xae: {  	v51 =	vshrl.u32 v8, $0x5;
	v7 =	vxor.u32 v48, v7;
	v2 =	vmul.u32 $0x1000193, v2  }
0xaf: {  	s18 =	sshll.u32 s18, $0x4;
	v52 =	vmulhi.u32 $0xA7C5AC5, v51;
	v7 =	vmul.u32 $0x1000193, v7;
	v53 =	vshrl.u32 v5, $0x5  }
0xb0: {  	s7 =	sand.u32 $0x3FFFFFF0, s18;
	v10 =	vmul.u32 $0x186A0, v10;
	v54 =	vshrl.u32 v2, $0x5;
	v11 =	vmulhi.u32 $0xA7C5AC5, v53  }
0xb1: {  	[tilespmem:v0+s7+$0x0 ss:$0x1] =	vst.idx.msk $0xffff, v6;
	v55 =	vshrl.u32 v52, $0x7;
	v57 =	vshrl.u32 v7, $0x5;
	v56 =	vmulhi.u32 $0xA7C5AC5, v54  }
0xb2: {  	[tilespmem:v0+s7+$0x10 ss:$0x1] =	vst.idx.msk $0xffff, v4;
	v58 =	vmul.u32 $0x186A0, v55;
	v60 =	vmulhi.u32 $0xA7C5AC5, v57;
	v59 =	vshrl.u32 v11, $0x7  }
0xb3: {  	p2 =	por p1, p1;
	[tilespmem:v0+s7+$0x20 ss:$0x1] =	vst.idx.msk $0xffff, v3;
	v1 =	vsub.s32 v1, v10;
	v61 =	vshrl.u32 v56, $0x7;
	v3 =	vmul.u32 $0x186A0, v59  }
.Ltmp0:
0xb4: {  	[tilespmem:v0+s7+$0x30 ss:$0x1] =	vst.idx.msk $0xffff, v1;
	v1 =	vsub.s32 v8, v58;
	v63 =	vshrl.u32 v60, $0x7;
	v62 =	vmul.u32 $0x186A0, v61;
	(pc) =	sbr.rel @p2 .LBB2_4-.Ltmp0, $4  }
0xb5: {  	[tilespmem:v0+s7+$0x40 ss:$0x1] =	vst.idx.msk $0xffff, v1;
	v1 =	vsub.s32 v5, v3;
	v3 =	vmul.u32 $0x186A0, v63  }
0xb6: {  	[tilespmem:v0+s7+$0x50 ss:$0x1] =	vst.idx.msk $0xffff, v1;
	v1 =	vsub.s32 v2, v62  }
0xb7: {  	[tilespmem:v0+s7+$0x60 ss:$0x1] =	vst.idx.msk $0xffff, v1;
	v1 =	vsub.s32 v7, v3  }
0xb8: {  	p1 =	por $0x0, $0x0;
	s18 =	simm.s32 $0x8;
	[tilespmem:v0+s7+$0x70 ss:$0x1] =	vst.idx.msk $0xffff, v1  }
0xb9: {  	_ =	swait.ge [sflag:s8], $0x1000;
	s7 =	sadd.s32 @!p0 s11, s20;
	s9 =	simm.s32 @!p0 $0x800  }
0xba: {  	s18 =	simm.s32 @!p0 $0x8000;
	[sflag:s8] =	ssyncset.done $0x0;
	s7 =	sshrl.u32 @!p0 s7, $0x3  }
0xbb: {  	s20 =	simm.s32 @!p0 $0x19700;
	[sflag:s8] =	ssyncadd.s32 $0xFFFFF000;
	s7 =	sadd.s32 @!p0 s1, s7  }
0xbc: {  	[tilespmem:s20], [sflag:$0x1] =	stream.strided.gather @!p0 [hbm4b:s7+s9], $0x1000, s18, s9, $0x38;
	[tilespmem:$0x1F700] =	vst v63  }
0xbd: {  	s20 =	sadd.s32 $0x1A800, s17  }
0xbe: {  	s17 =	simm.s32 $0x0;
	p0 =	por $0x1, $0x1;
	v0 =	vmov s20  }
.LBB2_6:
0xbf: {  	s7 =	sshll.u32 s17, $0x7  }
0xc0: {  	s7 =	sand.u32 $0x3FFFFF80, s7  }
0xc1: {  	v1 =	vld [tilespmem:s7+$0x19700]  }
0xc2: {  	v2 =	vld [tilespmem:s7+$0x19780]  }
0xc3: {  	v4 =	vld [tilespmem:s7+$0x19800]  }
0xc4: {  	v5 =	vld [tilespmem:s7+$0x19880]  }
0xc5: {  	v6 =	vld [tilespmem:s7+$0x19900]  }
0xc6: {  	v7 =	vld [tilespmem:s7+$0x19980]  }
0xc7: {  	v8 =	vld [tilespmem:s7+$0x19A00]  }
0xc8: {  	v9 =	vld [tilespmem:s7+$0x19A80]  }
0xc9: {  	v10 =	vld [tilespmem:s7+$0x19F00]  }
0xca: {  	v11 =	vld [tilespmem:s7+$0x19F80]  }
0xcb: {  	v12 =	vld [tilespmem:s7+$0x1A000]  }
0xcc: {  	v13 =	vld [tilespmem:s7+$0x1A080]  }
0xcd: {  	v15 =	vld [tilespmem:s7+$0x1A100]  }
0xce: {  	v17 =	vld [tilespmem:s7+$0x1A180]  }
0xcf: {  	v18 =	vld [tilespmem:s7+$0x1A200]  }
0xd0: {  	v3 =	vld [tilespmem:s7+$0x1A280]  }
0xd1: {  	v14 =	vld [tilespmem:s7+$0x19710]  }
0xd2: {  	v16 =	vld [tilespmem:s7+$0x19790]  }
0xd3: {  	v19 =	vld [tilespmem:s7+$0x19810]  }
0xd4: {  	v20 =	vld [tilespmem:s7+$0x19890]  }
0xd5: {  	v21 =	vld [tilespmem:s7+$0x19910]  }
0xd6: {  	v22 =	vld [tilespmem:s7+$0x19990]  }
0xd7: {  	v23 =	vld [tilespmem:s7+$0x19A10]  }
0xd8: {  	v24 =	vld [tilespmem:s7+$0x19A90]  }
0xd9: {  	v25 =	vld [tilespmem:s7+$0x19F10];
	v1 =	vxor.u32 $0x811C9DC5, v1  }
0xda: {  	v26 =	vld [tilespmem:s7+$0x19F90];
	v1 =	vmul.u32 $0x1000193, v1  }
0xdb: {  	v27 =	vld [tilespmem:s7+$0x1A010]  }
0xdc: {  	v37 =	vld [tilespmem:s7+$0x197A0];
	v1 =	vxor.u32 v2, v1  }
0xdd: {  	v2 =	vld [tilespmem:s7+$0x19720];
	v1 =	vmul.u32 $0x1000193, v1  }
0xde: {  	v28 =	vld [tilespmem:s7+$0x1A090]  }
0xdf: {  	v29 =	vld [tilespmem:s7+$0x1A110];
	v1 =	vxor.u32 v4, v1  }
0xe0: {  	v38 =	vld [tilespmem:s7+$0x19820];
	v14 =	vxor.u32 $0x811C9DC5, v14;
	v1 =	vmul.u32 $0x1000193, v1  }
0xe1: {  	v30 =	vld [tilespmem:s7+$0x1A190];
	v14 =	vmul.u32 $0x1000193, v14  }
0xe2: {  	v31 =	vld [tilespmem:s7+$0x1A210];
	v2 =	vxor.u32 $0x811C9DC5, v2;
	v1 =	vxor.u32 v5, v1  }
0xe3: {  	v39 =	vld [tilespmem:s7+$0x198A0];
	v14 =	vxor.u32 v16, v14;
	v2 =	vmul.u32 $0x1000193, v2;
	v1 =	vmul.u32 $0x1000193, v1  }
0xe4: {  	v41 =	vld [tilespmem:s7+$0x1A290];
	v14 =	vmul.u32 $0x1000193, v14  }
0xe5: {  	v42 =	vld [tilespmem:s7+$0x19920];
	v2 =	vxor.u32 v37, v2;
	v1 =	vxor.u32 v6, v1  }
0xe6: {  	v43 =	vld [tilespmem:s7+$0x199A0];
	v40 =	vxor.u32 v19, v14;
	v2 =	vmul.u32 $0x1000193, v2;
	v1 =	vmul.u32 $0x1000193, v1  }
0xe7: {  	v44 =	vld [tilespmem:s7+$0x19A20];
	v6 =	vmul.u32 $0x1000193, v40  }
0xe8: {  	v45 =	vld [tilespmem:s7+$0x19AA0];
	v2 =	vxor.u32 v38, v2;
	v1 =	vxor.u32 v7, v1  }
0xe9: {  	v46 =	vld [tilespmem:s7+$0x19F20];
	v6 =	vxor.u32 v20, v6;
	v2 =	vmul.u32 $0x1000193, v2;
	v1 =	vmul.u32 $0x1000193, v1  }
0xea: {  	v47 =	vld [tilespmem:s7+$0x19FA0];
	v6 =	vmul.u32 $0x1000193, v6  }
0xeb: {  	v48 =	vld [tilespmem:s7+$0x1A020];
	v2 =	vxor.u32 v39, v2;
	v1 =	vxor.u32 v8, v1  }
0xec: {  	v49 =	vld [tilespmem:s7+$0x1A0A0];
	v6 =	vxor.u32 v21, v6;
	v2 =	vmul.u32 $0x1000193, v2;
	v1 =	vmul.u32 $0x1000193, v1  }
0xed: {  	v50 =	vld [tilespmem:s7+$0x1A120];
	v6 =	vmul.u32 $0x1000193, v6  }
0xee: {  	v51 =	vld [tilespmem:s7+$0x1A1A0];
	v2 =	vxor.u32 v42, v2;
	v1 =	vxor.u32 v9, v1  }
0xef: {  	v32 =	vld [tilespmem:s7+$0x1A220];
	v6 =	vxor.u32 v22, v6;
	v2 =	vmul.u32 $0x1000193, v2;
	v1 =	vmul.u32 $0x1000193, v1  }
0xf0: {  	v52 =	vld [tilespmem:s7+$0x1A2A0];
	v6 =	vmul.u32 $0x1000193, v6  }
0xf1: {  	v33 =	vld [tilespmem:s7+$0x19730];
	v2 =	vxor.u32 v43, v2;
	v1 =	vxor.u32 v10, v1  }
0xf2: {  	v53 =	vld [tilespmem:s7+$0x197B0];
	v6 =	vxor.u32 v23, v6;
	v2 =	vmul.u32 $0x1000193, v2;
	v1 =	vmul.u32 $0x1000193, v1  }
0xf3: {  	v54 =	vld [tilespmem:s7+$0x19830];
	v6 =	vmul.u32 $0x1000193, v6  }
0xf4: {  	v55 =	vld [tilespmem:s7+$0x198B0];
	v2 =	vxor.u32 v44, v2;
	v1 =	vxor.u32 v11, v1  }
0xf5: {  	v34 =	vld [tilespmem:s7+$0x19930];
	v6 =	vxor.u32 v24, v6;
	v2 =	vmul.u32 $0x1000193, v2;
	v1 =	vmul.u32 $0x1000193, v1  }
0xf6: {  	v35 =	vld [tilespmem:s7+$0x19A30];
	v6 =	vmul.u32 $0x1000193, v6  }
0xf7: {  	v36 =	vld [tilespmem:s7+$0x19AB0];
	v2 =	vxor.u32 v45, v2;
	v1 =	vxor.u32 v12, v1  }
0xf8: {  	v59 =	vld [tilespmem:s7+$0x19740];
	v6 =	vxor.u32 v25, v6;
	v2 =	vmul.u32 $0x1000193, v2;
	v1 =	vmul.u32 $0x1000193, v1  }
0xf9: {  	v60 =	vld [tilespmem:s7+$0x197C0];
	v6 =	vmul.u32 $0x1000193, v6  }
0xfa: {  	v61 =	vld [tilespmem:s7+$0x19840];
	v2 =	vxor.u32 v46, v2;
	v1 =	vxor.u32 v13, v1  }
0xfb: {  	v62 =	vld [tilespmem:s7+$0x198C0];
	v6 =	vxor.u32 v26, v6;
	v2 =	vmul.u32 $0x1000193, v2;
	v1 =	vmul.u32 $0x1000193, v1  }
0xfc: {  	v63 =	vld [tilespmem:s7+$0x19940];
	v6 =	vmul.u32 $0x1000193, v6  }
0xfd: {  	v16 =	vld [tilespmem:s7+$0x19F30];
	v2 =	vxor.u32 v47, v2;
	v1 =	vxor.u32 v15, v1  }
0xfe: {  	v14 =	vld [tilespmem:s7+$0x19FB0];
	v6 =	vxor.u32 v27, v6;
	v2 =	vmul.u32 $0x1000193, v2;
	v1 =	vmul.u32 $0x1000193, v1  }
0xff: {  	v5 =	vld [tilespmem:s7+$0x1A1B0];
	v6 =	vmul.u32 $0x1000193, v6  }
0x100: {  	v37 =	vld [tilespmem:s7+$0x199C0];
	v2 =	vxor.u32 v48, v2;
	v1 =	vxor.u32 v17, v1  }
0x101: {  	v7 =	vld [tilespmem:s7+$0x1A130];
	v56 =	vmul.u32 $0x1000193, v2;
	v57 =	vmul.u32 $0x1000193, v1;
	v1 =	vxor.u32 v28, v6  }
0x102: {  	v39 =	vxor.u32 $0x811C9DC5, v59;
	v10 =	vld [tilespmem:s7+$0x1A0B0];
	v6 =	vmul.u32 $0x1000193, v1  }
0x103: {  	v11 =	vmul.u32 $0x1000193, v39;
	v39 =	vld [tilespmem:s7+$0x19960];
	v8 =	vxor.u32 v49, v56;
	v58 =	vxor.u32 v18, v57  }
0x104: {  	v25 =	vld [tilespmem:s7+$0x199B0];
	v8 =	vmul.u32 $0x1000193, v8;
	v9 =	vmul.u32 $0x1000193, v58;
	v6 =	vxor.u32 v29, v6  }
0x105: {  	v44 =	vxor.u32 v60, v11;
	v11 =	vld [tilespmem:s7+$0x1A1C0];
	v6 =	vmul.u32 $0x1000193, v6  }
0x106: {  	v33 =	vxor.u32 $0x811C9DC5, v33;
	v60 =	vld [tilespmem:s7+$0x197F0];
	v8 =	vxor.u32 v50, v8;
	v3 =	vxor.u32 v3, v9  }
0x107: {  	v12 =	vld [tilespmem:s7+$0x1A030];
	v8 =	vmul.u32 $0x1000193, v8;
	v9 =	vmul.u32 $0x1000193, v33;
	v6 =	vxor.u32 v30, v6  }
0x108: {  	v13 =	vld [tilespmem:s7+$0x1A140];
	v6 =	vmul.u32 $0x1000193, v6  }
0x109: {  	v50 =	vld [tilespmem:s7+$0x19750];
	v3 =	vmul.u32 $0x1000193, v3;
	v8 =	vxor.u32 v51, v8;
	v9 =	vxor.u32 v53, v9  }
0x10a: {  	v27 =	vld [tilespmem:s7+$0x19A40];
	v8 =	vmul.u32 $0x1000193, v8;
	v9 =	vmul.u32 $0x1000193, v9;
	v6 =	vxor.u32 v31, v6  }
0x10b: {  	v15 =	vld [tilespmem:s7+$0x1A0C0];
	v6 =	vmul.u32 $0x1000193, v6  }
0x10c: {  	v2 =	vld [tilespmem:s7+$0x1A230];
	v38 =	vshrl.u32 v3, $0x5;
	v8 =	vxor.u32 v32, v8;
	v42 =	vxor.u32 v54, v9  }
0x10d: {  	v17 =	vld [tilespmem:s7+$0x1A040];
	v8 =	vmul.u32 $0x1000193, v8;
	v43 =	vmul.u32 $0x1000193, v42;
	v6 =	vxor.u32 v41, v6  }
0x10e: {  	v40 =	vmulhi.u32 $0xA7C5AC5, v38;
	v59 =	vxor.u32 $0x811C9DC5, v50;
	v19 =	vmul.u32 $0x1000193, v6  }
0x10f: {  	v51 =	vld [tilespmem:s7+$0x19760];
	v41 =	vxor.u32 v52, v8;
	v8 =	vmul.u32 $0x1000193, v44;
	v4 =	vxor.u32 v55, v43  }
0x110: {  	v54 =	vld [tilespmem:s7+$0x19770];
	v23 =	vmul.u32 $0x1000193, v41;
	v4 =	vmul.u32 $0x1000193, v4;
	v46 =	vshrl.u32 v19, $0x5  }
0x111: {  	v28 =	vld [tilespmem:s7+$0x19AC0];
	v45 =	vshrl.u32 v40, $0x7;
	v20 =	vxor.u32 v61, v8;
	v47 =	vmulhi.u32 $0xA7C5AC5, v46  }
0x112: {  	v1 =	vld [tilespmem:s7+$0x1A2B0];
	v48 =	vshrl.u32 v23, $0x5;
	v20 =	vmul.u32 $0x1000193, v20;
	v4 =	vxor.u32 v34, v4  }
0x113: {  	v56 =	vld [tilespmem:s7+$0x197D0];
	v18 =	vmul.u32 $0x186A0, v45;
	v49 =	vmulhi.u32 $0xA7C5AC5, v48;
	v34 =	vmul.u32 $0x1000193, v4  }
0x114: {  	v29 =	vld [tilespmem:s7+$0x19F40];
	v24 =	vshrl.u32 v47, $0x7;
	v53 =	vxor.u32 v62, v20;
	v62 =	vxor.u32 $0x811C9DC5, v51  }
0x115: {  	v58 =	vld [tilespmem:s7+$0x197E0];
	v20 =	vxor.u32 $0x811C9DC5, v54;
	v24 =	vmul.u32 $0x186A0, v24;
	v6 =	vshrl.u32 v49, $0x7  }
0x116: {  	v33 =	vld [tilespmem:s7+$0x19870];
	v55 =	vmul.u32 $0x1000193, v53;
	v57 =	vxor.u32 v25, v34;
	v31 =	vmul.u32 $0x1000193, v62  }
0x117: {  	v30 =	vld [tilespmem:s7+$0x19FC0];
	v20 =	vmul.u32 $0x1000193, v20;
	v52 =	vmul.u32 $0x186A0, v6;
	v6 =	vsub.s32 v3, v18  }
0x118: {  	v61 =	vld [tilespmem:s7+$0x19850];
	v4 =	vsub.s32 v19, v24;
	v19 =	vmul.u32 $0x1000193, v57;
	v24 =	vmul.u32 $0x1000193, v59  }
0x119: {  	v18 =	vxor.u32 v63, v55;
	v63 =	vld [tilespmem:s7+$0x19860];
	v20 =	vxor.u32 v60, v20;
	v3 =	vsub.s32 v23, v52  }
0x11a: {  	v38 =	vld [tilespmem:s7+$0x19950];
	v18 =	vmul.u32 $0x1000193, v18;
	v23 =	vxor.u32 v58, v31;
	v21 =	vxor.u32 v56, v24  }
0x11b: {  	v34 =	vld [tilespmem:s7+$0x198D0];
	v20 =	vmul.u32 $0x1000193, v20;
	v19 =	vxor.u32 v35, v19;
	v21 =	vmul.u32 $0x1000193, v21  }
0x11c: {  	v23 =	vmul.u32 $0x1000193, v23;
	v35 =	vld [tilespmem:s7+$0x198E0];
	v18 =	vxor.u32 v37, v18;
	v19 =	vmul.u32 $0x1000193, v19  }
0x11d: {  	v37 =	vld [tilespmem:s7+$0x198F0];
	v20 =	vxor.u32 v33, v20;
	v18 =	vmul.u32 $0x1000193, v18;
	v21 =	vxor.u32 v61, v21  }
0x11e: {  	v50 =	vld [tilespmem:s7+$0x19AD0];
	v19 =	vxor.u32 v36, v19;
	v23 =	vxor.u32 v63, v23;
	v21 =	vmul.u32 $0x1000193, v21  }
0x11f: {  	v9 =	vld [tilespmem:s7+$0x1A240];
	v18 =	vxor.u32 v27, v18;
	v19 =	vmul.u32 $0x1000193, v19;
	v23 =	vmul.u32 $0x1000193, v23  }
0x120: {  	v40 =	vld [tilespmem:s7+$0x19970];
	v20 =	vmul.u32 $0x1000193, v20;
	v18 =	vmul.u32 $0x1000193, v18;
	v21 =	vxor.u32 v34, v21  }
0x121: {  	v43 =	vld [tilespmem:s7+$0x199D0];
	v16 =	vxor.u32 v16, v19;
	v42 =	vxor.u32 v35, v23;
	v41 =	vmul.u32 $0x1000193, v21  }
0x122: {  	v44 =	vld [tilespmem:s7+$0x199E0];
	v20 =	vxor.u32 v37, v20;
	v18 =	vxor.u32 v28, v18;
	v21 =	vmul.u32 $0x1000193, v42  }
0x123: {  	v45 =	vld [tilespmem:s7+$0x199F0];
	v16 =	vmul.u32 $0x1000193, v16;
	v20 =	vmul.u32 $0x1000193, v20;
	v19 =	vxor.u32 v38, v41  }
0x124: {  	v46 =	vld [tilespmem:s7+$0x19A50];
	v18 =	vmul.u32 $0x1000193, v18;
	v21 =	vxor.u32 v39, v21;
	v19 =	vmul.u32 $0x1000193, v19  }
0x125: {  	v48 =	vld [tilespmem:s7+$0x19A60];
	v14 =	vxor.u32 v14, v16;
	v20 =	vxor.u32 v40, v20;
	v47 =	vmul.u32 $0x1000193, v21  }
0x126: {  	v49 =	vld [tilespmem:s7+$0x19A70];
	v18 =	vxor.u32 v29, v18;
	v20 =	vmul.u32 $0x1000193, v20;
	v19 =	vxor.u32 v43, v19  }
0x127: {  	v8 =	vld [tilespmem:s7+$0x1A2C0];
	v14 =	vmul.u32 $0x1000193, v14;
	v16 =	vxor.u32 v44, v47;
	v19 =	vmul.u32 $0x1000193, v19  }
0x128: {  	v51 =	vld [tilespmem:s7+$0x19AE0];
	v18 =	vmul.u32 $0x1000193, v18;
	v20 =	vxor.u32 v45, v20;
	v16 =	vmul.u32 $0x1000193, v16  }
0x129: {  	v54 =	vld [tilespmem:s7+$0x19AF0];
	v12 =	vxor.u32 v12, v14;
	v53 =	vmul.u32 $0x1000193, v20;
	v52 =	vxor.u32 v46, v19  }
0x12a: {  	v55 =	vld [tilespmem:s7+$0x19F50];
	v18 =	vxor.u32 v30, v18;
	v16 =	vxor.u32 v48, v16;
	v14 =	vmul.u32 $0x1000193, v52  }
0x12b: {  	v56 =	vld [tilespmem:s7+$0x19F60];
	v12 =	vmul.u32 $0x1000193, v12;
	v19 =	vxor.u32 v49, v53;
	v16 =	vmul.u32 $0x1000193, v16  }
0x12c: {  	v57 =	vld [tilespmem:s7+$0x19F70];
	v18 =	vmul.u32 $0x1000193, v18;
	v19 =	vmul.u32 $0x1000193, v19;
	v14 =	vxor.u32 v50, v14  }
0x12d: {  	v60 =	vld [tilespmem:s7+$0x19FD0];
	v10 =	vxor.u32 v10, v12;
	v59 =	vxor.u32 v51, v16;
	v58 =	vmul.u32 $0x1000193, v14  }
0x12e: {  	v62 =	vld [tilespmem:s7+$0x19FE0];
	v17 =	vxor.u32 v17, v18;
	v61 =	vxor.u32 v54, v19;
	v14 =	vmul.u32 $0x1000193, v59  }
0x12f: {  	v63 =	vld [tilespmem:s7+$0x19FF0];
	v10 =	vmul.u32 $0x1000193, v10;
	v18 =	vmul.u32 $0x1000193, v61;
	v12 =	vxor.u32 v55, v58  }
0x130: {  	v24 =	vld [tilespmem:s7+$0x1A050];
	v17 =	vmul.u32 $0x1000193, v17;
	v14 =	vxor.u32 v56, v14;
	v12 =	vmul.u32 $0x1000193, v12  }
0x131: {  	v27 =	vld [tilespmem:s7+$0x1A060];
	v7 =	vxor.u32 v7, v10;
	v26 =	vxor.u32 v57, v18;
	v25 =	vmul.u32 $0x1000193, v14  }
0x132: {  	v28 =	vld [tilespmem:s7+$0x1A070];
	v15 =	vxor.u32 v15, v17;
	v14 =	vmul.u32 $0x1000193, v26;
	v12 =	vxor.u32 v60, v12  }
0x133: {  	v29 =	vld [tilespmem:s7+$0x1A0D0];
	v7 =	vmul.u32 $0x1000193, v7;
	v10 =	vxor.u32 v62, v25;
	v12 =	vmul.u32 $0x1000193, v12  }
0x134: {  	v30 =	vld [tilespmem:s7+$0x1A0E0];
	v15 =	vmul.u32 $0x1000193, v15;
	v14 =	vxor.u32 v63, v14;
	v10 =	vmul.u32 $0x1000193, v10  }
0x135: {  	v33 =	vld [tilespmem:s7+$0x1A0F0];
	v5 =	vxor.u32 v5, v7;
	v32 =	vmul.u32 $0x1000193, v14;
	v31 =	vxor.u32 v24, v12  }
0x136: {  	v34 =	vld [tilespmem:s7+$0x1A150];
	v13 =	vxor.u32 v13, v15;
	v10 =	vxor.u32 v27, v10;
	v7 =	vmul.u32 $0x1000193, v31  }
0x137: {  	v35 =	vld [tilespmem:s7+$0x1A160];
	v5 =	vmul.u32 $0x1000193, v5;
	v12 =	vxor.u32 v28, v32;
	v10 =	vmul.u32 $0x1000193, v10  }
0x138: {  	v36 =	vld [tilespmem:s7+$0x1A170];
	v13 =	vmul.u32 $0x1000193, v13;
	v12 =	vmul.u32 $0x1000193, v12;
	v7 =	vxor.u32 v29, v7  }
0x139: {  	v39 =	vld [tilespmem:s7+$0x1A1D0];
	v2 =	vxor.u32 v2, v5;
	v38 =	vxor.u32 v30, v10;
	v37 =	vmul.u32 $0x1000193, v7  }
0x13a: {  	v40 =	vld [tilespmem:s7+$0x1A1E0];
	v11 =	vxor.u32 v11, v13;
	v12 =	vxor.u32 v33, v12;
	v7 =	vmul.u32 $0x1000193, v38  }
0x13b: {  	v41 =	vld [tilespmem:s7+$0x1A1F0];
	v2 =	vmul.u32 $0x1000193, v2;
	v12 =	vmul.u32 $0x1000193, v12;
	v5 =	vxor.u32 v34, v37  }
0x13c: {  	v42 =	vld [tilespmem:s7+$0x1A250];
	v11 =	vmul.u32 $0x1000193, v11;
	v7 =	vxor.u32 v35, v7;
	v5 =	vmul.u32 $0x1000193, v5  }
0x13d: {  	v44 =	vld [tilespmem:s7+$0x1A260];
	v1 =	vxor.u32 v1, v2;
	v43 =	vxor.u32 v36, v12;
	v2 =	vmul.u32 $0x1000193, v7  }
0x13e: {  	v45 =	vld [tilespmem:s7+$0x1A270];
	v9 =	vxor.u32 v9, v11;
	v7 =	vmul.u32 $0x1000193, v43;
	v5 =	vxor.u32 v39, v5  }
0x13f: {  	v46 =	vld [tilespmem:s7+$0x1A2D0];
	v1 =	vmul.u32 $0x1000193, v1;
	v2 =	vxor.u32 v40, v2;
	v5 =	vmul.u32 $0x1000193, v5  }
0x140: {  	v47 =	vld [tilespmem:s7+$0x1A2E0];
	v9 =	vmul.u32 $0x1000193, v9;
	v7 =	vxor.u32 v41, v7;
	v2 =	vmul.u32 $0x1000193, v2  }
0x141: {  	v48 =	vld [tilespmem:s7+$0x1A2F0];
	v49 =	vshrl.u32 v1, $0x5;
	v7 =	vmul.u32 $0x1000193, v7;
	v5 =	vxor.u32 v42, v5  }
0x142: {  	v8 =	vxor.u32 v8, v9;
	v2 =	vxor.u32 v44, v2;
	v5 =	vmul.u32 $0x1000193, v5  }
0x143: {  	v50 =	vmulhi.u32 $0xA7C5AC5, v49;
	v7 =	vxor.u32 v45, v7;
	v2 =	vmul.u32 $0x1000193, v2  }
0x144: {  	v8 =	vmul.u32 $0x1000193, v8;
	v7 =	vmul.u32 $0x1000193, v7;
	v5 =	vxor.u32 v46, v5  }
0x145: {  	v10 =	vshrl.u32 v50, $0x7;
	v2 =	vxor.u32 v47, v2;
	v5 =	vmul.u32 $0x1000193, v5  }
0x146: {  	v51 =	vshrl.u32 v8, $0x5;
	v7 =	vxor.u32 v48, v7;
	v2 =	vmul.u32 $0x1000193, v2  }
0x147: {  	s20 =	sshll.u32 s17, $0x4;
	v52 =	vmulhi.u32 $0xA7C5AC5, v51;
	v7 =	vmul.u32 $0x1000193, v7;
	v53 =	vshrl.u32 v5, $0x5  }
0x148: {  	s7 =	sand.u32 $0x3FFFFFF0, s20;
	v10 =	vmul.u32 $0x186A0, v10;
	v54 =	vshrl.u32 v2, $0x5;
	v11 =	vmulhi.u32 $0xA7C5AC5, v53  }
0x149: {  	[tilespmem:v0+s7+$0x0 ss:$0x1] =	vst.idx.msk $0xffff, v6;
	v55 =	vshrl.u32 v52, $0x7;
	v57 =	vshrl.u32 v7, $0x5;
	v56 =	vmulhi.u32 $0xA7C5AC5, v54  }
0x14a: {  	[tilespmem:v0+s7+$0x10 ss:$0x1] =	vst.idx.msk $0xffff, v4;
	v58 =	vmul.u32 $0x186A0, v55;
	v60 =	vmulhi.u32 $0xA7C5AC5, v57;
	v59 =	vshrl.u32 v11, $0x7  }
0x14b: {  	p1 =	por p0, p0;
	[tilespmem:v0+s7+$0x20 ss:$0x1] =	vst.idx.msk $0xffff, v3;
	v1 =	vsub.s32 v1, v10;
	v61 =	vshrl.u32 v56, $0x7;
	v3 =	vmul.u32 $0x186A0, v59  }
.Ltmp1:
0x14c: {  	[tilespmem:v0+s7+$0x30 ss:$0x1] =	vst.idx.msk $0xffff, v1;
	v1 =	vsub.s32 v8, v58;
	v63 =	vshrl.u32 v60, $0x7;
	v62 =	vmul.u32 $0x186A0, v61;
	(pc) =	sbr.rel @p1 .LBB2_6-.Ltmp1, $4  }
0x14d: {  	[tilespmem:v0+s7+$0x40 ss:$0x1] =	vst.idx.msk $0xffff, v1;
	v1 =	vsub.s32 v5, v3;
	v3 =	vmul.u32 $0x186A0, v63  }
0x14e: {  	[tilespmem:v0+s7+$0x50 ss:$0x1] =	vst.idx.msk $0xffff, v1;
	v1 =	vsub.s32 v2, v62  }
0x14f: {  	[tilespmem:v0+s7+$0x60 ss:$0x1] =	vst.idx.msk $0xffff, v1;
	v1 =	vsub.s32 v7, v3  }
0x150: {  	s17 =	simm.s32 $0x8;
	p0 =	por $0x0, $0x0;
	[tilespmem:v0+s7+$0x70 ss:$0x1] =	vst.idx.msk $0xffff, v1  }
0x151: {  	p0 =	seq.s32 s19, $0x8  }
.Ltmp2:
0x152: {  	_ = 	snop;
	(pc) =	sbr.rel @!p0 .LBB2_3-.Ltmp2, $1  }
0x153: {  	_ =	sdelay $0x3  }
0x154: {  	[spmem:s12] =	stream.linear.scatter [tilespmem:s23], [sflag:$0x6], $0x1000, $0x38;
	[tilespmem:$0x1F700] =	vst v63  }
0x155: {  	_ =	swait.ge [sflag:s24], $0x1000  }
0x156: {  	[sflag:s24] =	ssyncset.done $0x0  }
0x157: {  	[sflag:s24] =	ssyncadd.s32 $0xFFFFF000  }
0x158: {  	[bflag:$0x0] =	sbarrier.arrive $0xFFFF  }
0x159: {  	[tilespmem:s23], [sflag:$0x2] =	stream.linear.gather [spmem:s4], $0x1000, $0x38;
	[tilespmem:$0x1F700] =	vst v63  }
0x15a: {  	_ =	swait.ge [sflag:s25], $0x18700  }
0x15b: {  	[sflag:s25] =	ssyncset.done $0x0  }
0x15c: {  	s7 =	simm.s32 $0x0;
	[sflag:s25] =	ssyncadd.s32 $0xFFFE7900  }
.LBB2_8:
0x15d: {  	s17 =	sshllo.u32 s7, $0x1  }
0x15e: {  	_ =	swait.ge [sflag:s26], $0x1000;
	s9 =	sshll.u32 s17, $0xC  }
0x15f: {  	[sflag:s26] =	ssyncset.done $0x0;
	s9 =	sand.u32 $0x3FFFF000, s9  }
0x160: {  	p0 =	seq.s32 s7, $0x0;
	[sflag:s26] =	ssyncadd.s32 $0xFFFFF000;
	s9 =	sadd.s32 s9, s4  }
0x161: {  	[tilespmem:s28], [sflag:$0x2] =	stream.linear.gather [spmem:s9], $0x1000, $0x38;
	[tilespmem:$0x1F700] =	vst v63  }
0x162: {  	s9 =	simm.s32 @!p0 $0x3  }
0x163: {  	_ =	swait.ge @!p0 [sflag:s9], $0x1000  }
0x164: {  	[sflag:s9] =	ssyncset.done @!p0 $0x0  }
0x165: {  	s20 =	simm.s32 $0x1A780;
	[sflag:s9] =	ssyncadd.s32 @!p0 $0xFFFFF000  }
0x166: {  	v0 =	vld [tilespmem:s20+$0x70]  }
0x167: {  	v1 =	vld [tilespmem:s20+$0xFFFFFF90]  }
0x168: {  	v2 =	vld [tilespmem:s20+$0xFFFFFFA0]  }
0x169: {  	v3 =	vld [tilespmem:s20+$0xFFFFFFB0]  }
0x16a: {  	v4 =	vld [tilespmem:s20+$0xFFFFFFC0]  }
0x16b: {  	v5 =	vld [tilespmem:s20+$0xFFFFFFD0]  }
0x16c: {  	v6 =	vld [tilespmem:s20+$0xFFFFFFE0]  }
0x16d: {  	v7 =	vld [tilespmem:s20+$0xFFFFFFF0]  }
0x16e: {  	v8 =	vld [tilespmem:s20+$0x0]  }
0x16f: {  	v9 =	vld [tilespmem:s20+$0x10]  }
0x170: {  	v10 =	vld [tilespmem:s20+$0x20]  }
0x171: {  	v11 =	vld [tilespmem:s20+$0x30]  }
0x172: {  	v12 =	vld [tilespmem:s20+$0x40]  }
0x173: {  	v13 =	vld [tilespmem:s20+$0x50]  }
0x174: {  	v14 =	vld [tilespmem:s20+$0x60]  }
0x175: {  	v15 =	vld [tilespmem:s20+$0xFFFFFF80]  }
0x176: {  	v0 =	vld.idx.msk [tilespmem:v0+s5+$0x0], $0xffff  }
0x177: {  	v1 =	vld.idx.msk [tilespmem:v1+s5+$0x0], $0xffff  }
0x178: {  	v2 =	vld.idx.msk [tilespmem:v2+s5+$0x0], $0xffff  }
0x179: {  	v3 =	vld.idx.msk [tilespmem:v3+s5+$0x0], $0xffff  }
0x17a: {  	v4 =	vld.idx.msk [tilespmem:v4+s5+$0x0], $0xffff  }
0x17b: {  	s18 =	simm.s32 $0x1C780;
	v5 =	vld.idx.msk [tilespmem:v5+s5+$0x0], $0xffff  }
0x17c: {  	v6 =	vld.idx.msk [tilespmem:v6+s5+$0x0], $0xffff;
	[tilespmem:s18+$0x70] =	vst v0  }
0x17d: {  	v7 =	vld.idx.msk [tilespmem:v7+s5+$0x0], $0xffff;
	[tilespmem:s18+$0xFFFFFF90] =	vst v1  }
0x17e: {  	v15 =	vld.idx.msk [tilespmem:v15+s5+$0x0], $0xffff;
	[tilespmem:s18+$0xFFFFFFA0] =	vst v2  }
0x17f: {  	v8 =	vld.idx.msk [tilespmem:v8+s5+$0x0], $0xffff;
	[tilespmem:s18+$0xFFFFFFB0] =	vst v3  }
0x180: {  	[tilespmem:s18+$0xFFFFFFC0] =	vst v4;
	v0 =	vld.idx.msk [tilespmem:v9+s5+$0x0], $0xffff  }
0x181: {  	[tilespmem:s18+$0xFFFFFFD0] =	vst v5;
	v1 =	vld.idx.msk [tilespmem:v10+s5+$0x0], $0xffff  }
0x182: {  	[tilespmem:s18+$0xFFFFFFE0] =	vst v6;
	v2 =	vld.idx.msk [tilespmem:v11+s5+$0x0], $0xffff  }
0x183: {  	[tilespmem:s18+$0xFFFFFFF0] =	vst v7;
	v3 =	vld.idx.msk [tilespmem:v12+s5+$0x0], $0xffff  }
0x184: {  	[tilespmem:s18+$0xFFFFFF80] =	vst v15;
	v4 =	vld.idx.msk [tilespmem:v13+s5+$0x0], $0xffff  }
0x185: {  	s19 =	simm.s32 $0x0;
	s20 =	simm.s32 $0x1A880;
	[tilespmem:s18+$0x0] =	vst v8;
	v5 =	vld.idx.msk [tilespmem:v14+s5+$0x0], $0xffff  }
.LBB2_9:
0x186: {  	v6 =	vld [tilespmem:s20+$0x70];
	s19 =	sadd.s32 $0x10, s19;
	[tilespmem:s18+$0x10] =	vst v0  }
0x187: {  	v0 =	vld [tilespmem:s20+$0xFFFFFF90];
	p0 =	slt.u32 s19, $0xF0;
	[tilespmem:s18+$0x20] =	vst v1  }
0x188: {  	v1 =	vld [tilespmem:s20+$0xFFFFFFA0];
	[tilespmem:s18+$0x30] =	vst v2  }
0x189: {  	v2 =	vld [tilespmem:s20+$0xFFFFFFB0];
	[tilespmem:s18+$0x40] =	vst v3  }
0x18a: {  	v3 =	vld [tilespmem:s20+$0xFFFFFFC0];
	[tilespmem:s18+$0x50] =	vst v4  }
0x18b: {  	v4 =	vld [tilespmem:s20+$0xFFFFFFD0];
	[tilespmem:s18+$0x60] =	vst v5  }
0x18c: {  	v5 =	vld [tilespmem:s20+$0xFFFFFFE0]  }
0x18d: {  	v7 =	vld [tilespmem:s20+$0xFFFFFFF0]  }
0x18e: {  	v6 =	vld.idx.msk [tilespmem:v6+s5+$0x0], $0xffff  }
0x18f: {  	v8 =	vld [tilespmem:s20+$0x0]  }
0x190: {  	v9 =	vld [tilespmem:s20+$0x10]  }
0x191: {  	v10 =	vld [tilespmem:s20+$0x20]  }
0x192: {  	v11 =	vld [tilespmem:s20+$0x30]  }
0x193: {  	s18 =	sadd.s32 $0x100, s18;
	v12 =	vld [tilespmem:s20+$0x40]  }
0x194: {  	v13 =	vld [tilespmem:s20+$0x50];
	[tilespmem:s18+$0x70] =	vst v6  }
0x195: {  	v6 =	vld [tilespmem:s20+$0x60]  }
0x196: {  	v14 =	vld [tilespmem:s20+$0xFFFFFF80]  }
0x197: {  	v0 =	vld.idx.msk [tilespmem:v0+s5+$0x0], $0xffff  }
0x198: {  	v1 =	vld.idx.msk [tilespmem:v1+s5+$0x0], $0xffff  }
0x199: {  	v2 =	vld.idx.msk [tilespmem:v2+s5+$0x0], $0xffff  }
0x19a: {  	v3 =	vld.idx.msk [tilespmem:v3+s5+$0x0], $0xffff  }
0x19b: {  	v4 =	vld.idx.msk [tilespmem:v4+s5+$0x0], $0xffff  }
0x19c: {  	v5 =	vld.idx.msk [tilespmem:v5+s5+$0x0], $0xffff  }
0x19d: {  	[tilespmem:s18+$0xFFFFFF90] =	vst v0;
	v7 =	vld.idx.msk [tilespmem:v7+s5+$0x0], $0xffff  }
0x19e: {  	v14 =	vld.idx.msk [tilespmem:v14+s5+$0x0], $0xffff;
	[tilespmem:s18+$0xFFFFFFA0] =	vst v1  }
0x19f: {  	[tilespmem:s18+$0xFFFFFFB0] =	vst v2;
	v8 =	vld.idx.msk [tilespmem:v8+s5+$0x0], $0xffff  }
0x1a0: {  	[tilespmem:s18+$0xFFFFFFC0] =	vst v3;
	v0 =	vld.idx.msk [tilespmem:v9+s5+$0x0], $0xffff  }
.Ltmp3:
0x1a1: {  	[tilespmem:s18+$0xFFFFFFD0] =	vst v4;
	v1 =	vld.idx.msk [tilespmem:v10+s5+$0x0], $0xffff;
	(pc) =	sbr.rel @p0 .LBB2_9-.Ltmp3, $4  }
0x1a2: {  	[tilespmem:s18+$0xFFFFFFE0] =	vst v5;
	v2 =	vld.idx.msk [tilespmem:v11+s5+$0x0], $0xffff  }
0x1a3: {  	[tilespmem:s18+$0xFFFFFFF0] =	vst v7;
	v3 =	vld.idx.msk [tilespmem:v12+s5+$0x0], $0xffff  }
0x1a4: {  	[tilespmem:s18+$0xFFFFFF80] =	vst v14;
	v4 =	vld.idx.msk [tilespmem:v13+s5+$0x0], $0xffff  }
0x1a5: {  	s20 =	sadd.s32 $0x100, s20;
	[tilespmem:s18+$0x0] =	vst v8;
	v5 =	vld.idx.msk [tilespmem:v6+s5+$0x0], $0xffff  }
0x1a6: {  	[tilespmem:s18+$0x10] =	vst v0  }
0x1a7: {  	[tilespmem:s18+$0x20] =	vst v1  }
0x1a8: {  	s9 =	sshll.u32 s7, $0x13;
	[tilespmem:s18+$0x30] =	vst v2  }
0x1a9: {  	s9 =	sadd.s32 s13, s9;
	[tilespmem:s18+$0x40] =	vst v3  }
0x1aa: {  	s9 =	sshrl.u32 s9, $0x3;
	[tilespmem:s18+$0x50] =	vst v4  }
0x1ab: {  	p0 =	seq.s32 s7, $0x7;
	s9 =	sadd.s32 s3, s9;
	[tilespmem:s18+$0x60] =	vst v5  }
0x1ac: {  	[hbm4b:s9+s21] =	stream.strided.scatter [tilespmem:s29], [sflag:$0x3], $0x1000, s22, s21, $0x38;
	[tilespmem:$0x1F700] =	vst v63  }
0x1ad: {  	s9 =	sshll.u32 @!p0 s7, $0xD  }
0x1ae: {  	_ =	swait.ge [sflag:s26], $0x1000;
	s9 =	sand.u32 @!p0 $0x3FFFE000, s9  }
0x1af: {  	p1 =	seq.s32 @!p0 s7, $0x0;
	[sflag:s26] =	ssyncset.done $0x0;
	s9 =	sadd.s32 @!p0 s9, s4  }
0x1b0: {  	s18 =	simm.s32 @!p0 $0x1A700;
	[sflag:s26] =	ssyncadd.s32 $0xFFFFF000;
	s9 =	sadd.s32 @!p0 $0x2000, s9  }
0x1b1: {  	[tilespmem:s18], [sflag:$0x2] =	stream.linear.gather @!p0 [spmem:s9], $0x1000, $0x38;
	[tilespmem:$0x1F700] =	vst v63  }
0x1b2: {  	p0 =	por p0, !p1  }
0x1b3: {  	_ =	swait.ge @p0 [sflag:s2], $0x1000  }
0x1b4: {  	[sflag:s2] =	ssyncset.done @p0 $0x0  }
0x1b5: {  	s20 =	simm.s32 $0x1B780;
	[sflag:s2] =	ssyncadd.s32 @p0 $0xFFFFF000  }
0x1b6: {  	v0 =	vld [tilespmem:s20+$0x70]  }
0x1b7: {  	v1 =	vld [tilespmem:s20+$0xFFFFFF90]  }
0x1b8: {  	v2 =	vld [tilespmem:s20+$0xFFFFFFA0]  }
0x1b9: {  	v3 =	vld [tilespmem:s20+$0xFFFFFFB0]  }
0x1ba: {  	v4 =	vld [tilespmem:s20+$0xFFFFFFC0]  }
0x1bb: {  	v5 =	vld [tilespmem:s20+$0xFFFFFFD0]  }
0x1bc: {  	v6 =	vld [tilespmem:s20+$0xFFFFFFE0]  }
0x1bd: {  	v7 =	vld [tilespmem:s20+$0xFFFFFFF0]  }
0x1be: {  	v8 =	vld [tilespmem:s20+$0x0]  }
0x1bf: {  	v9 =	vld [tilespmem:s20+$0x10]  }
0x1c0: {  	v10 =	vld [tilespmem:s20+$0x20]  }
0x1c1: {  	v11 =	vld [tilespmem:s20+$0x30]  }
0x1c2: {  	v12 =	vld [tilespmem:s20+$0x40]  }
0x1c3: {  	v13 =	vld [tilespmem:s20+$0x50]  }
0x1c4: {  	v14 =	vld [tilespmem:s20+$0x60]  }
0x1c5: {  	v15 =	vld [tilespmem:s20+$0xFFFFFF80]  }
0x1c6: {  	v0 =	vld.idx.msk [tilespmem:v0+s5+$0x0], $0xffff  }
0x1c7: {  	v1 =	vld.idx.msk [tilespmem:v1+s5+$0x0], $0xffff  }
0x1c8: {  	v2 =	vld.idx.msk [tilespmem:v2+s5+$0x0], $0xffff  }
0x1c9: {  	v3 =	vld.idx.msk [tilespmem:v3+s5+$0x0], $0xffff  }
0x1ca: {  	v4 =	vld.idx.msk [tilespmem:v4+s5+$0x0], $0xffff  }
0x1cb: {  	s18 =	simm.s32 $0x1D780;
	v5 =	vld.idx.msk [tilespmem:v5+s5+$0x0], $0xffff  }
0x1cc: {  	v6 =	vld.idx.msk [tilespmem:v6+s5+$0x0], $0xffff;
	[tilespmem:s18+$0x70] =	vst v0  }
0x1cd: {  	v7 =	vld.idx.msk [tilespmem:v7+s5+$0x0], $0xffff;
	[tilespmem:s18+$0xFFFFFF90] =	vst v1  }
0x1ce: {  	v15 =	vld.idx.msk [tilespmem:v15+s5+$0x0], $0xffff;
	[tilespmem:s18+$0xFFFFFFA0] =	vst v2  }
0x1cf: {  	v8 =	vld.idx.msk [tilespmem:v8+s5+$0x0], $0xffff;
	[tilespmem:s18+$0xFFFFFFB0] =	vst v3  }
0x1d0: {  	[tilespmem:s18+$0xFFFFFFC0] =	vst v4;
	v0 =	vld.idx.msk [tilespmem:v9+s5+$0x0], $0xffff  }
0x1d1: {  	[tilespmem:s18+$0xFFFFFFD0] =	vst v5;
	v1 =	vld.idx.msk [tilespmem:v10+s5+$0x0], $0xffff  }
0x1d2: {  	[tilespmem:s18+$0xFFFFFFE0] =	vst v6;
	v2 =	vld.idx.msk [tilespmem:v11+s5+$0x0], $0xffff  }
0x1d3: {  	[tilespmem:s18+$0xFFFFFFF0] =	vst v7;
	v3 =	vld.idx.msk [tilespmem:v12+s5+$0x0], $0xffff  }
0x1d4: {  	[tilespmem:s18+$0xFFFFFF80] =	vst v15;
	v4 =	vld.idx.msk [tilespmem:v13+s5+$0x0], $0xffff  }
0x1d5: {  	s19 =	simm.s32 $0x0;
	s7 =	sadd.s32 $0x1, s7;
	s20 =	simm.s32 $0x1B880;
	[tilespmem:s18+$0x0] =	vst v8;
	v5 =	vld.idx.msk [tilespmem:v14+s5+$0x0], $0xffff  }
.LBB2_11:
0x1d6: {  	v6 =	vld [tilespmem:s20+$0x70];
	s19 =	sadd.s32 $0x10, s19;
	[tilespmem:s18+$0x10] =	vst v0  }
0x1d7: {  	v0 =	vld [tilespmem:s20+$0xFFFFFF90];
	p0 =	slt.u32 s19, $0xF0;
	[tilespmem:s18+$0x20] =	vst v1  }
0x1d8: {  	v1 =	vld [tilespmem:s20+$0xFFFFFFA0];
	[tilespmem:s18+$0x30] =	vst v2  }
0x1d9: {  	v2 =	vld [tilespmem:s20+$0xFFFFFFB0];
	[tilespmem:s18+$0x40] =	vst v3  }
0x1da: {  	v3 =	vld [tilespmem:s20+$0xFFFFFFC0];
	[tilespmem:s18+$0x50] =	vst v4  }
0x1db: {  	v4 =	vld [tilespmem:s20+$0xFFFFFFD0];
	[tilespmem:s18+$0x60] =	vst v5  }
0x1dc: {  	v5 =	vld [tilespmem:s20+$0xFFFFFFE0]  }
0x1dd: {  	v7 =	vld [tilespmem:s20+$0xFFFFFFF0]  }
0x1de: {  	v6 =	vld.idx.msk [tilespmem:v6+s5+$0x0], $0xffff  }
0x1df: {  	v8 =	vld [tilespmem:s20+$0x0]  }
0x1e0: {  	v9 =	vld [tilespmem:s20+$0x10]  }
0x1e1: {  	v10 =	vld [tilespmem:s20+$0x20]  }
0x1e2: {  	v11 =	vld [tilespmem:s20+$0x30]  }
0x1e3: {  	s18 =	sadd.s32 $0x100, s18;
	v12 =	vld [tilespmem:s20+$0x40]  }
0x1e4: {  	v13 =	vld [tilespmem:s20+$0x50];
	[tilespmem:s18+$0x70] =	vst v6  }
0x1e5: {  	v6 =	vld [tilespmem:s20+$0x60]  }
0x1e6: {  	v14 =	vld [tilespmem:s20+$0xFFFFFF80]  }
0x1e7: {  	v0 =	vld.idx.msk [tilespmem:v0+s5+$0x0], $0xffff  }
0x1e8: {  	v1 =	vld.idx.msk [tilespmem:v1+s5+$0x0], $0xffff  }
0x1e9: {  	v2 =	vld.idx.msk [tilespmem:v2+s5+$0x0], $0xffff  }
0x1ea: {  	v3 =	vld.idx.msk [tilespmem:v3+s5+$0x0], $0xffff  }
0x1eb: {  	v4 =	vld.idx.msk [tilespmem:v4+s5+$0x0], $0xffff  }
0x1ec: {  	v5 =	vld.idx.msk [tilespmem:v5+s5+$0x0], $0xffff  }
0x1ed: {  	[tilespmem:s18+$0xFFFFFF90] =	vst v0;
	v7 =	vld.idx.msk [tilespmem:v7+s5+$0x0], $0xffff  }
0x1ee: {  	v14 =	vld.idx.msk [tilespmem:v14+s5+$0x0], $0xffff;
	[tilespmem:s18+$0xFFFFFFA0] =	vst v1  }
0x1ef: {  	[tilespmem:s18+$0xFFFFFFB0] =	vst v2;
	v8 =	vld.idx.msk [tilespmem:v8+s5+$0x0], $0xffff  }
0x1f0: {  	[tilespmem:s18+$0xFFFFFFC0] =	vst v3;
	v0 =	vld.idx.msk [tilespmem:v9+s5+$0x0], $0xffff  }
.Ltmp4:
0x1f1: {  	[tilespmem:s18+$0xFFFFFFD0] =	vst v4;
	v1 =	vld.idx.msk [tilespmem:v10+s5+$0x0], $0xffff;
	(pc) =	sbr.rel @p0 .LBB2_11-.Ltmp4, $4  }
0x1f2: {  	[tilespmem:s18+$0xFFFFFFE0] =	vst v5;
	v2 =	vld.idx.msk [tilespmem:v11+s5+$0x0], $0xffff  }
0x1f3: {  	[tilespmem:s18+$0xFFFFFFF0] =	vst v7;
	v3 =	vld.idx.msk [tilespmem:v12+s5+$0x0], $0xffff  }
0x1f4: {  	[tilespmem:s18+$0xFFFFFF80] =	vst v14;
	v4 =	vld.idx.msk [tilespmem:v13+s5+$0x0], $0xffff  }
0x1f5: {  	s20 =	sadd.s32 $0x100, s20;
	[tilespmem:s18+$0x0] =	vst v8;
	v5 =	vld.idx.msk [tilespmem:v6+s5+$0x0], $0xffff  }
0x1f6: {  	[tilespmem:s18+$0x10] =	vst v0  }
0x1f7: {  	[tilespmem:s18+$0x20] =	vst v1;
	p0 =	sne.s32 s7, $0x8  }
.Ltmp5:
0x1f8: {  	s9 =	sshll.u32 s17, $0x12;
	[tilespmem:s18+$0x30] =	vst v2;
	(pc) =	sbr.rel @p0 .LBB2_8-.Ltmp5, $4  }
0x1f9: {  	s9 =	sadd.s32 s13, s9;
	[tilespmem:s18+$0x40] =	vst v3  }
0x1fa: {  	s9 =	sshrl.u32 s9, $0x3;
	[tilespmem:s18+$0x50] =	vst v4  }
0x1fb: {  	s9 =	sadd.s32 s3, s9;
	[tilespmem:s18+$0x60] =	vst v5  }
0x1fc: {  	[hbm4b:s9+s21] =	stream.strided.scatter [tilespmem:s30], [sflag:$0x4], $0x1000, s22, s21, $0x38;
	[tilespmem:$0x1F700] =	vst v63  }
0x1fd: {  	_ =	swait.ge [sflag:s31], $0x1000  }
0x1fe: {  	[sflag:s31] =	ssyncset.done $0x0  }
0x1ff: {  	[sflag:s31] =	ssyncadd.s32 $0xFFFFF000  }
0x200: {  	_ =	swait.ge [sflag:s2], $0x1000  }
0x201: {  	[sflag:s2] =	ssyncset.done $0x0  }
0x202: {  	s7 =	simm.s32 $0x0;
	[sflag:s2] =	ssyncadd.s32 $0xFFFFF000  }
0x203: {  	[tilespmem:s7], [sflag:$0x5] =	stream.strided.gather [hbm4b:s14+s21], $0x18700, s22, s21, $0x38;
	[tilespmem:$0x1F700] =	vst v63  }
0x204: {  	_ = 	snop  }
0x205: {  	[tilespmem:s23], [sflag:$0x2] =	stream.linear.gather [spmem:s4], $0x1000, $0x38;
	[tilespmem:$0x1F700] =	vst v63  }
0x206: {  	_ =	swait.ge [sflag:s25], $0x18700  }
0x207: {  	[sflag:s25] =	ssyncset.done $0x0  }
0x208: {  	[sflag:s25] =	ssyncadd.s32 $0xFFFE7900  }
.LBB2_14:
0x209: {  	s17 =	sshllo.u32 s7, $0x1  }
0x20a: {  	_ =	swait.ge [sflag:s26], $0x1000;
	s9 =	sshll.u32 s17, $0xC  }
0x20b: {  	[sflag:s26] =	ssyncset.done $0x0;
	s9 =	sand.u32 $0x3FFFF000, s9  }
0x20c: {  	p0 =	seq.s32 s7, $0x0;
	[sflag:s26] =	ssyncadd.s32 $0xFFFFF000;
	s9 =	sadd.s32 s9, s4  }
0x20d: {  	[tilespmem:s28], [sflag:$0x2] =	stream.linear.gather [spmem:s9], $0x1000, $0x38;
	[tilespmem:$0x1F700] =	vst v63  }
0x20e: {  	s9 =	simm.s32 @!p0 $0x3  }
0x20f: {  	_ =	swait.ge @!p0 [sflag:s9], $0x1000  }
0x210: {  	[sflag:s9] =	ssyncset.done @!p0 $0x0  }
0x211: {  	s20 =	simm.s32 $0x1A780;
	[sflag:s9] =	ssyncadd.s32 @!p0 $0xFFFFF000  }
0x212: {  	v0 =	vld [tilespmem:s20+$0x70]  }
0x213: {  	v1 =	vld [tilespmem:s20+$0xFFFFFF90]  }
0x214: {  	v2 =	vld [tilespmem:s20+$0xFFFFFFA0]  }
0x215: {  	v3 =	vld [tilespmem:s20+$0xFFFFFFB0]  }
0x216: {  	v4 =	vld [tilespmem:s20+$0xFFFFFFC0]  }
0x217: {  	v5 =	vld [tilespmem:s20+$0xFFFFFFD0]  }
0x218: {  	v6 =	vld [tilespmem:s20+$0xFFFFFFE0]  }
0x219: {  	v7 =	vld [tilespmem:s20+$0xFFFFFFF0]  }
0x21a: {  	v8 =	vld [tilespmem:s20+$0x0]  }
0x21b: {  	v9 =	vld [tilespmem:s20+$0x10]  }
0x21c: {  	v10 =	vld [tilespmem:s20+$0x20]  }
0x21d: {  	v11 =	vld [tilespmem:s20+$0x30]  }
0x21e: {  	v12 =	vld [tilespmem:s20+$0x40]  }
0x21f: {  	v13 =	vld [tilespmem:s20+$0x50]  }
0x220: {  	v14 =	vld [tilespmem:s20+$0x60]  }
0x221: {  	v15 =	vld [tilespmem:s20+$0xFFFFFF80]  }
0x222: {  	v0 =	vld.idx.msk [tilespmem:v0+s5+$0x0], $0xffff  }
0x223: {  	v1 =	vld.idx.msk [tilespmem:v1+s5+$0x0], $0xffff  }
0x224: {  	v2 =	vld.idx.msk [tilespmem:v2+s5+$0x0], $0xffff  }
0x225: {  	v3 =	vld.idx.msk [tilespmem:v3+s5+$0x0], $0xffff  }
0x226: {  	v4 =	vld.idx.msk [tilespmem:v4+s5+$0x0], $0xffff  }
0x227: {  	s18 =	simm.s32 $0x1C780;
	v5 =	vld.idx.msk [tilespmem:v5+s5+$0x0], $0xffff  }
0x228: {  	v6 =	vld.idx.msk [tilespmem:v6+s5+$0x0], $0xffff;
	[tilespmem:s18+$0x70] =	vst v0  }
0x229: {  	v7 =	vld.idx.msk [tilespmem:v7+s5+$0x0], $0xffff;
	[tilespmem:s18+$0xFFFFFF90] =	vst v1  }
0x22a: {  	v15 =	vld.idx.msk [tilespmem:v15+s5+$0x0], $0xffff;
	[tilespmem:s18+$0xFFFFFFA0] =	vst v2  }
0x22b: {  	v8 =	vld.idx.msk [tilespmem:v8+s5+$0x0], $0xffff;
	[tilespmem:s18+$0xFFFFFFB0] =	vst v3  }
0x22c: {  	[tilespmem:s18+$0xFFFFFFC0] =	vst v4;
	v0 =	vld.idx.msk [tilespmem:v9+s5+$0x0], $0xffff  }
0x22d: {  	[tilespmem:s18+$0xFFFFFFD0] =	vst v5;
	v1 =	vld.idx.msk [tilespmem:v10+s5+$0x0], $0xffff  }
0x22e: {  	[tilespmem:s18+$0xFFFFFFE0] =	vst v6;
	v2 =	vld.idx.msk [tilespmem:v11+s5+$0x0], $0xffff  }
0x22f: {  	[tilespmem:s18+$0xFFFFFFF0] =	vst v7;
	v3 =	vld.idx.msk [tilespmem:v12+s5+$0x0], $0xffff  }
0x230: {  	[tilespmem:s18+$0xFFFFFF80] =	vst v15;
	v4 =	vld.idx.msk [tilespmem:v13+s5+$0x0], $0xffff  }
0x231: {  	s19 =	simm.s32 $0x0;
	s20 =	simm.s32 $0x1A880;
	[tilespmem:s18+$0x0] =	vst v8;
	v5 =	vld.idx.msk [tilespmem:v14+s5+$0x0], $0xffff  }
.LBB2_15:
0x232: {  	v6 =	vld [tilespmem:s20+$0x70];
	s19 =	sadd.s32 $0x10, s19;
	[tilespmem:s18+$0x10] =	vst v0  }
0x233: {  	v0 =	vld [tilespmem:s20+$0xFFFFFF90];
	p0 =	slt.u32 s19, $0xF0;
	[tilespmem:s18+$0x20] =	vst v1  }
0x234: {  	v1 =	vld [tilespmem:s20+$0xFFFFFFA0];
	[tilespmem:s18+$0x30] =	vst v2  }
0x235: {  	v2 =	vld [tilespmem:s20+$0xFFFFFFB0];
	[tilespmem:s18+$0x40] =	vst v3  }
0x236: {  	v3 =	vld [tilespmem:s20+$0xFFFFFFC0];
	[tilespmem:s18+$0x50] =	vst v4  }
0x237: {  	v4 =	vld [tilespmem:s20+$0xFFFFFFD0];
	[tilespmem:s18+$0x60] =	vst v5  }
0x238: {  	v5 =	vld [tilespmem:s20+$0xFFFFFFE0]  }
0x239: {  	v7 =	vld [tilespmem:s20+$0xFFFFFFF0]  }
0x23a: {  	v6 =	vld.idx.msk [tilespmem:v6+s5+$0x0], $0xffff  }
0x23b: {  	v8 =	vld [tilespmem:s20+$0x0]  }
0x23c: {  	v9 =	vld [tilespmem:s20+$0x10]  }
0x23d: {  	v10 =	vld [tilespmem:s20+$0x20]  }
0x23e: {  	v11 =	vld [tilespmem:s20+$0x30]  }
0x23f: {  	s18 =	sadd.s32 $0x100, s18;
	v12 =	vld [tilespmem:s20+$0x40]  }
0x240: {  	v13 =	vld [tilespmem:s20+$0x50];
	[tilespmem:s18+$0x70] =	vst v6  }
0x241: {  	v6 =	vld [tilespmem:s20+$0x60]  }
0x242: {  	v14 =	vld [tilespmem:s20+$0xFFFFFF80]  }
0x243: {  	v0 =	vld.idx.msk [tilespmem:v0+s5+$0x0], $0xffff  }
0x244: {  	v1 =	vld.idx.msk [tilespmem:v1+s5+$0x0], $0xffff  }
0x245: {  	v2 =	vld.idx.msk [tilespmem:v2+s5+$0x0], $0xffff  }
0x246: {  	v3 =	vld.idx.msk [tilespmem:v3+s5+$0x0], $0xffff  }
0x247: {  	v4 =	vld.idx.msk [tilespmem:v4+s5+$0x0], $0xffff  }
0x248: {  	v5 =	vld.idx.msk [tilespmem:v5+s5+$0x0], $0xffff  }
0x249: {  	[tilespmem:s18+$0xFFFFFF90] =	vst v0;
	v7 =	vld.idx.msk [tilespmem:v7+s5+$0x0], $0xffff  }
0x24a: {  	v14 =	vld.idx.msk [tilespmem:v14+s5+$0x0], $0xffff;
	[tilespmem:s18+$0xFFFFFFA0] =	vst v1  }
0x24b: {  	[tilespmem:s18+$0xFFFFFFB0] =	vst v2;
	v8 =	vld.idx.msk [tilespmem:v8+s5+$0x0], $0xffff  }
0x24c: {  	[tilespmem:s18+$0xFFFFFFC0] =	vst v3;
	v0 =	vld.idx.msk [tilespmem:v9+s5+$0x0], $0xffff  }
.Ltmp6:
0x24d: {  	[tilespmem:s18+$0xFFFFFFD0] =	vst v4;
	v1 =	vld.idx.msk [tilespmem:v10+s5+$0x0], $0xffff;
	(pc) =	sbr.rel @p0 .LBB2_15-.Ltmp6, $4  }
0x24e: {  	[tilespmem:s18+$0xFFFFFFE0] =	vst v5;
	v2 =	vld.idx.msk [tilespmem:v11+s5+$0x0], $0xffff  }
0x24f: {  	[tilespmem:s18+$0xFFFFFFF0] =	vst v7;
	v3 =	vld.idx.msk [tilespmem:v12+s5+$0x0], $0xffff  }
0x250: {  	[tilespmem:s18+$0xFFFFFF80] =	vst v14;
	v4 =	vld.idx.msk [tilespmem:v13+s5+$0x0], $0xffff  }
0x251: {  	s20 =	sadd.s32 $0x100, s20;
	[tilespmem:s18+$0x0] =	vst v8;
	v5 =	vld.idx.msk [tilespmem:v6+s5+$0x0], $0xffff  }
0x252: {  	[tilespmem:s18+$0x10] =	vst v0  }
0x253: {  	[tilespmem:s18+$0x20] =	vst v1  }
0x254: {  	s9 =	sshll.u32 s7, $0x13;
	[tilespmem:s18+$0x30] =	vst v2  }
0x255: {  	s9 =	sor.u32 s16, s9;
	[tilespmem:s18+$0x40] =	vst v3  }
0x256: {  	s9 =	sshrl.u32 s9, $0x3;
	[tilespmem:s18+$0x50] =	vst v4  }
0x257: {  	p0 =	seq.s32 s7, $0x7;
	s9 =	sadd.s32 s3, s9;
	[tilespmem:s18+$0x60] =	vst v5  }
0x258: {  	[hbm4b:s9+s21] =	stream.strided.scatter [tilespmem:s29], [sflag:$0x3], $0x1000, s22, s21, $0x38;
	[tilespmem:$0x1F700] =	vst v63  }
0x259: {  	s9 =	sshll.u32 @!p0 s7, $0xD  }
0x25a: {  	_ =	swait.ge [sflag:s26], $0x1000;
	s9 =	sand.u32 @!p0 $0x3FFFE000, s9  }
0x25b: {  	p1 =	seq.s32 @!p0 s7, $0x0;
	[sflag:s26] =	ssyncset.done $0x0;
	s9 =	sadd.s32 @!p0 s9, s4  }
0x25c: {  	s18 =	simm.s32 @!p0 $0x1A700;
	[sflag:s26] =	ssyncadd.s32 $0xFFFFF000;
	s9 =	sadd.s32 @!p0 $0x2000, s9  }
0x25d: {  	[tilespmem:s18], [sflag:$0x2] =	stream.linear.gather @!p0 [spmem:s9], $0x1000, $0x38;
	[tilespmem:$0x1F700] =	vst v63  }
0x25e: {  	p0 =	por p0, !p1  }
0x25f: {  	_ =	swait.ge @p0 [sflag:s2], $0x1000  }
0x260: {  	[sflag:s2] =	ssyncset.done @p0 $0x0  }
0x261: {  	s20 =	simm.s32 $0x1B780;
	[sflag:s2] =	ssyncadd.s32 @p0 $0xFFFFF000  }
0x262: {  	v0 =	vld [tilespmem:s20+$0x70]  }
0x263: {  	v1 =	vld [tilespmem:s20+$0xFFFFFF90]  }
0x264: {  	v2 =	vld [tilespmem:s20+$0xFFFFFFA0]  }
0x265: {  	v3 =	vld [tilespmem:s20+$0xFFFFFFB0]  }
0x266: {  	v4 =	vld [tilespmem:s20+$0xFFFFFFC0]  }
0x267: {  	v5 =	vld [tilespmem:s20+$0xFFFFFFD0]  }
0x268: {  	v6 =	vld [tilespmem:s20+$0xFFFFFFE0]  }
0x269: {  	v7 =	vld [tilespmem:s20+$0xFFFFFFF0]  }
0x26a: {  	v8 =	vld [tilespmem:s20+$0x0]  }
0x26b: {  	v9 =	vld [tilespmem:s20+$0x10]  }
0x26c: {  	v10 =	vld [tilespmem:s20+$0x20]  }
0x26d: {  	v11 =	vld [tilespmem:s20+$0x30]  }
0x26e: {  	v12 =	vld [tilespmem:s20+$0x40]  }
0x26f: {  	v13 =	vld [tilespmem:s20+$0x50]  }
0x270: {  	v14 =	vld [tilespmem:s20+$0x60]  }
0x271: {  	v15 =	vld [tilespmem:s20+$0xFFFFFF80]  }
0x272: {  	v0 =	vld.idx.msk [tilespmem:v0+s5+$0x0], $0xffff  }
0x273: {  	v1 =	vld.idx.msk [tilespmem:v1+s5+$0x0], $0xffff  }
0x274: {  	v2 =	vld.idx.msk [tilespmem:v2+s5+$0x0], $0xffff  }
0x275: {  	v3 =	vld.idx.msk [tilespmem:v3+s5+$0x0], $0xffff  }
0x276: {  	v4 =	vld.idx.msk [tilespmem:v4+s5+$0x0], $0xffff  }
0x277: {  	s18 =	simm.s32 $0x1D780;
	v5 =	vld.idx.msk [tilespmem:v5+s5+$0x0], $0xffff  }
0x278: {  	v6 =	vld.idx.msk [tilespmem:v6+s5+$0x0], $0xffff;
	[tilespmem:s18+$0x70] =	vst v0  }
0x279: {  	v7 =	vld.idx.msk [tilespmem:v7+s5+$0x0], $0xffff;
	[tilespmem:s18+$0xFFFFFF90] =	vst v1  }
0x27a: {  	v15 =	vld.idx.msk [tilespmem:v15+s5+$0x0], $0xffff;
	[tilespmem:s18+$0xFFFFFFA0] =	vst v2  }
0x27b: {  	v8 =	vld.idx.msk [tilespmem:v8+s5+$0x0], $0xffff;
	[tilespmem:s18+$0xFFFFFFB0] =	vst v3  }
0x27c: {  	[tilespmem:s18+$0xFFFFFFC0] =	vst v4;
	v0 =	vld.idx.msk [tilespmem:v9+s5+$0x0], $0xffff  }
0x27d: {  	[tilespmem:s18+$0xFFFFFFD0] =	vst v5;
	v1 =	vld.idx.msk [tilespmem:v10+s5+$0x0], $0xffff  }
0x27e: {  	[tilespmem:s18+$0xFFFFFFE0] =	vst v6;
	v2 =	vld.idx.msk [tilespmem:v11+s5+$0x0], $0xffff  }
0x27f: {  	[tilespmem:s18+$0xFFFFFFF0] =	vst v7;
	v3 =	vld.idx.msk [tilespmem:v12+s5+$0x0], $0xffff  }
0x280: {  	[tilespmem:s18+$0xFFFFFF80] =	vst v15;
	v4 =	vld.idx.msk [tilespmem:v13+s5+$0x0], $0xffff  }
0x281: {  	s19 =	simm.s32 $0x0;
	s7 =	sadd.s32 $0x1, s7;
	s20 =	simm.s32 $0x1B880;
	[tilespmem:s18+$0x0] =	vst v8;
	v5 =	vld.idx.msk [tilespmem:v14+s5+$0x0], $0xffff  }
.LBB2_17:
0x282: {  	v6 =	vld [tilespmem:s20+$0x70];
	s19 =	sadd.s32 $0x10, s19;
	[tilespmem:s18+$0x10] =	vst v0  }
0x283: {  	v0 =	vld [tilespmem:s20+$0xFFFFFF90];
	p0 =	slt.u32 s19, $0xF0;
	[tilespmem:s18+$0x20] =	vst v1  }
0x284: {  	v1 =	vld [tilespmem:s20+$0xFFFFFFA0];
	[tilespmem:s18+$0x30] =	vst v2  }
0x285: {  	v2 =	vld [tilespmem:s20+$0xFFFFFFB0];
	[tilespmem:s18+$0x40] =	vst v3  }
0x286: {  	v3 =	vld [tilespmem:s20+$0xFFFFFFC0];
	[tilespmem:s18+$0x50] =	vst v4  }
0x287: {  	v4 =	vld [tilespmem:s20+$0xFFFFFFD0];
	[tilespmem:s18+$0x60] =	vst v5  }
0x288: {  	v5 =	vld [tilespmem:s20+$0xFFFFFFE0]  }
0x289: {  	v7 =	vld [tilespmem:s20+$0xFFFFFFF0]  }
0x28a: {  	v6 =	vld.idx.msk [tilespmem:v6+s5+$0x0], $0xffff  }
0x28b: {  	v8 =	vld [tilespmem:s20+$0x0]  }
0x28c: {  	v9 =	vld [tilespmem:s20+$0x10]  }
0x28d: {  	v10 =	vld [tilespmem:s20+$0x20]  }
0x28e: {  	v11 =	vld [tilespmem:s20+$0x30]  }
0x28f: {  	s18 =	sadd.s32 $0x100, s18;
	v12 =	vld [tilespmem:s20+$0x40]  }
0x290: {  	v13 =	vld [tilespmem:s20+$0x50];
	[tilespmem:s18+$0x70] =	vst v6  }
0x291: {  	v6 =	vld [tilespmem:s20+$0x60]  }
0x292: {  	v14 =	vld [tilespmem:s20+$0xFFFFFF80]  }
0x293: {  	v0 =	vld.idx.msk [tilespmem:v0+s5+$0x0], $0xffff  }
0x294: {  	v1 =	vld.idx.msk [tilespmem:v1+s5+$0x0], $0xffff  }
0x295: {  	v2 =	vld.idx.msk [tilespmem:v2+s5+$0x0], $0xffff  }
0x296: {  	v3 =	vld.idx.msk [tilespmem:v3+s5+$0x0], $0xffff  }
0x297: {  	v4 =	vld.idx.msk [tilespmem:v4+s5+$0x0], $0xffff  }
0x298: {  	v5 =	vld.idx.msk [tilespmem:v5+s5+$0x0], $0xffff  }
0x299: {  	[tilespmem:s18+$0xFFFFFF90] =	vst v0;
	v7 =	vld.idx.msk [tilespmem:v7+s5+$0x0], $0xffff  }
0x29a: {  	v14 =	vld.idx.msk [tilespmem:v14+s5+$0x0], $0xffff;
	[tilespmem:s18+$0xFFFFFFA0] =	vst v1  }
0x29b: {  	[tilespmem:s18+$0xFFFFFFB0] =	vst v2;
	v8 =	vld.idx.msk [tilespmem:v8+s5+$0x0], $0xffff  }
0x29c: {  	[tilespmem:s18+$0xFFFFFFC0] =	vst v3;
	v0 =	vld.idx.msk [tilespmem:v9+s5+$0x0], $0xffff  }
.Ltmp7:
0x29d: {  	[tilespmem:s18+$0xFFFFFFD0] =	vst v4;
	v1 =	vld.idx.msk [tilespmem:v10+s5+$0x0], $0xffff;
	(pc) =	sbr.rel @p0 .LBB2_17-.Ltmp7, $4  }
0x29e: {  	[tilespmem:s18+$0xFFFFFFE0] =	vst v5;
	v2 =	vld.idx.msk [tilespmem:v11+s5+$0x0], $0xffff  }
0x29f: {  	[tilespmem:s18+$0xFFFFFFF0] =	vst v7;
	v3 =	vld.idx.msk [tilespmem:v12+s5+$0x0], $0xffff  }
0x2a0: {  	[tilespmem:s18+$0xFFFFFF80] =	vst v14;
	v4 =	vld.idx.msk [tilespmem:v13+s5+$0x0], $0xffff  }
0x2a1: {  	s20 =	sadd.s32 $0x100, s20;
	[tilespmem:s18+$0x0] =	vst v8;
	v5 =	vld.idx.msk [tilespmem:v6+s5+$0x0], $0xffff  }
0x2a2: {  	[tilespmem:s18+$0x10] =	vst v0  }
0x2a3: {  	[tilespmem:s18+$0x20] =	vst v1;
	p0 =	sne.s32 s7, $0x8  }
.Ltmp8:
0x2a4: {  	s9 =	sshll.u32 s17, $0x12;
	[tilespmem:s18+$0x30] =	vst v2;
	(pc) =	sbr.rel @p0 .LBB2_14-.Ltmp8, $4  }
0x2a5: {  	s9 =	sor.u32 s16, s9;
	[tilespmem:s18+$0x40] =	vst v3  }
0x2a6: {  	s9 =	sshrl.u32 s9, $0x3;
	[tilespmem:s18+$0x50] =	vst v4  }
0x2a7: {  	s9 =	sadd.s32 s3, s9;
	[tilespmem:s18+$0x60] =	vst v5  }
0x2a8: {  	[hbm4b:s9+s21] =	stream.strided.scatter [tilespmem:s30], [sflag:$0x4], $0x1000, s22, s21, $0x38;
	[tilespmem:$0x1F700] =	vst v63  }
0x2a9: {  	s0 =	sadd.s32 $0x1, s0  }
0x2aa: {  	_ =	swait.ge [sflag:s31], $0x1000;
	p0 =	sne.s32 s0, s15  }
.Ltmp9:
0x2ab: {  	[sflag:s31] =	ssyncset.done $0x0;
	(pc) =	sbr.rel @p0 .LBB2_1-.Ltmp9, $4  }
0x2ac: {  	[sflag:s31] =	ssyncadd.s32 $0xFFFFF000  }
0x2ad: {  	_ =	swait.ge [sflag:s2], $0x1000  }
0x2ae: {  	[sflag:s2] =	ssyncset.done $0x0  }
0x2af: {  	[sflag:s2] =	ssyncadd.s32 $0xFFFFF000  }
0x2b0: {  	_ =	sfence.sel $0x180000  }
0x2b1: {  	[bflag:$0x0] =	sbarrier.arrive $0xFFFF  }
0x2b2: {  	_ =	strace $0x90000047  }
0x2b3: {  	s0 =	stileid.u32;
	[bflag:$0x2] =	sbarrier.arrive $0xFFFF  }
0x2b4: {  	p0 =	sne.s32 s0, $0x0;
	s0 =	rddreg [dreg:$0x4]  }
0x2b5: {  	s0 =	sadd.s32 @!p0 $0x100000, s0  }
0x2b6: {  	[sflag:s0] =	ssyncadd.tile.s32 @!p0 $0x1;
	_ =	shalt  }
.Lfunc_end2:
_tile_overlayer_lowered:
.L_overlay_start_2:
0x2b7: {  	(tag) =	ssettag $0x2  }
0x2b8: {  	s0 =	rddreg [dreg:$0x0];
	s2 =	stileid.u32  }
0x2b9: {  	s1 =	rddreg [dreg:$0x1];
	p0 =	sne.s32 s2, $0x0  }
0x2ba: {  	s3 =	rddreg [dreg:$0x2];
	[bflag:$0x3] =	sbarrier.arrive $0xFFFF;
	s2 =	simm.s32 @!p0 $0x1C06  }
0x2bb: {  	[timem:s3], [sflag:s2] =	dma.local @!p0 [hbm:s0], s1  }
0x2bc: {  	s0 =	simm.s32 @!p0 $0x6  }
0x2bd: {  	_ =	swait.ge @!p0 [sflag:s0], s1  }
0x2be: {  	s1 =	ssub.s32 @!p0 $0x0, s1;
	[sflag:s0] =	ssyncset.done @!p0 $0x0  }
0x2bf: {  	[sflag:s0] =	ssyncadd.s32 @!p0 s1  }
0x2c0: {  	[bflag:$0x3] =	sbarrier.arrive $0xFFFF  }
0x2c1: {  	_ =	shalt  }

</sc_bundles>
